<compile_context>
chip_gen: v7x
topology: tpu7x:2x2x1
jax: 0.10.2.dev20260603
libtpu: 0.0.44.dev20260713+nightly
codegen_flags: <defaults>
</compile_context>

<pallas_src>
import functools

import jax
import jax.numpy as jnp
from jax import lax
from jax.experimental import pallas as pl
from jax.experimental.pallas import tpu as pltpu
from jax.experimental.pallas import tpu_sc as plsc

_N = 10000
_E = 320000
_D = 128
_G = 64
_H = 64
_WIDTH = 4
_NCLASS = 2

_NC = 2
_NS = 16
_NW = _NC * _NS
_EPW = _E // _NW
_CH = 80
_NCHUNK = 128
_EPAD = _NW * _NCHUNK * _CH
_NCH0 = 184
_NCH1 = 72
_SRCROWS = _NS * _NCH0 + _NS * _NCH1 + (_NCH0 - _NCH1)
_NPAD = 10240
_RPW = _NPAD // _NS
_DROWS = _NPAD // 16
_DRPW = _DROWS // _NS
_DCH = 2000
_NIB = _DROWS // 128

_CHW = 128
_NCW = 80
_EPWW = _NCW * _CHW
_R = 2048
_NBLK = _NPAD // _R


def _act(z):
    return jnp.where(z >= 0, z, 0.01 * z)


@functools.cache
def _sc_scatter_fn():
    mesh = plsc.VectorSubcoreMesh(core_axis_name="c", subcore_axis_name="s")

    @functools.partial(
        pl.kernel,
        out_type=jax.ShapeDtypeStruct((_NC, _NPAD, _D), jnp.float32),
        mesh=mesh,
        compiler_params=pltpu.CompilerParams(needs_layout_passes=False),
        scratch_types=[
            pltpu.VMEM((_NCH0, _CH), jnp.int32),
            pltpu.VMEM((_CH,), jnp.int32),
            pltpu.VMEM((_CH,), jnp.int32),
            pltpu.VMEM((_CH, _D), jnp.float32),
            pltpu.VMEM((_CH, _D), jnp.float32),
            pltpu.VMEM_SHARED((_NPAD, _D), jnp.float32),
            pltpu.SemaphoreType.DMA,
            pltpu.SemaphoreType.DMA,
            pltpu.SemaphoreType.DMA,
            pltpu.SemaphoreType.DMA,
        ],
    )
    def scatter_rows(table, src2, src1, dst1, zrows, out,
                     srcbuf, dsti0, dsti1, rows0, rows1, acc,
                     semr0, semr1, semd0, semd1):
        c = lax.axis_index("c")
        s = lax.axis_index("s")
        cb = pl.multiple_of(
            jnp.where(c == 0, s * _NCH0, _NS * _NCH0 + s * _NCH1), 8)
        nch = jnp.where(c == 0, _NCH0, _NCH1)
        ebase = pl.multiple_of(cb * _CH, 8)
        pltpu.sync_copy(src2.at[pl.ds(cb, _NCH0)], srcbuf)
        pltpu.sync_copy(zrows.at[pl.ds(s * _RPW, _RPW)],
                        acc.at[pl.ds(s * _RPW, _RPW)])
        plsc.subcore_barrier()

        @pl.when(c == 0)
        def _():
            pltpu.async_copy(table.at[srcbuf.at[0]], rows0, semr0)
            pltpu.async_copy(dst1.at[pl.ds(ebase, _CH)], dsti0, semd0)
            pltpu.async_copy(table.at[srcbuf.at[1]], rows1, semr1)
            pltpu.async_copy(dst1.at[pl.ds(ebase + _CH, _CH)], dsti1, semd1)

            def body(i, carry):
                j0 = 2 * i
                pltpu.make_async_copy(table.at[srcbuf.at[0]], rows0, semr0).wait()
                pltpu.make_async_copy(dst1.at[pl.ds(0, _CH)], dsti0, semd0).wait()
                pltpu.sync_copy(rows0, acc.at[dsti0], add=True)

                @pl.when(j0 + 2 < _NCH0)
                def _():
                    pltpu.async_copy(table.at[srcbuf.at[j0 + 2]], rows0, semr0)
                    pltpu.async_copy(
                        dst1.at[pl.ds(ebase + (j0 + 2) * _CH, _CH)], dsti0, semd0)

                pltpu.make_async_copy(table.at[srcbuf.at[1]], rows1, semr1).wait()
                pltpu.make_async_copy(dst1.at[pl.ds(0, _CH)], dsti1, semd1).wait()
                pltpu.sync_copy(rows1, acc.at[dsti1], add=True)

                @pl.when(j0 + 3 < _NCH0)
                def _():
                    pltpu.async_copy(table.at[srcbuf.at[j0 + 3]], rows1, semr1)
                    pltpu.async_copy(
                        dst1.at[pl.ds(ebase + (j0 + 3) * _CH, _CH)], dsti1, semd1)

                return carry

            lax.fori_loop(0, 0, body, 0)

        @pl.when(c == 1)
        def _():
            def sbody(j, carry):
                pltpu.sync_copy(src1.at[pl.ds(ebase + j * _CH, _CH)], dsti1)
                pltpu.sync_copy(dst1.at[pl.ds(ebase + j * _CH, _CH)], dsti0)
                pltpu.async_copy(table.at[dsti1], rows0, semr0).wait()
                pltpu.sync_copy(rows0, acc.at[dsti0], add=True)
                return carry

            lax.fori_loop(0, _NCH1, sbody, 0)

        plsc.subcore_barrier()
        pltpu.sync_copy(acc.at[pl.ds(s * _RPW, _RPW)],
                        out.at[c, pl.ds(s * _RPW, _RPW)])

    return scatter_rows



@functools.cache
def _sc_scatter_fn_r1():
    mesh = plsc.VectorSubcoreMesh(core_axis_name="c", subcore_axis_name="s")

    @functools.partial(
        pl.kernel,
        out_type=jax.ShapeDtypeStruct((_NC, _NPAD, _D), jnp.float32),
        mesh=mesh,
        compiler_params=pltpu.CompilerParams(needs_layout_passes=False),
        scratch_types=[
            pltpu.VMEM((_CHW,), jnp.int32),
            pltpu.VMEM((_CHW,), jnp.int32),
            pltpu.VMEM((_CHW,), jnp.int32),
            pltpu.VMEM((_CHW,), jnp.int32),
            pltpu.VMEM((_CHW, _D), jnp.float32),
            pltpu.VMEM((_CHW, _D), jnp.float32),
            pltpu.VMEM_SHARED((_NPAD, _D), jnp.float32),
            pltpu.SemaphoreType.DMA,
            pltpu.SemaphoreType.DMA,
        ],
    )
    def scatter_rows(table, src, dst, zrows, out,
                     idx_sa, idx_da, idx_sb, idx_db, rowsa, rowsb, acc,
                     sema, semb):
        c = lax.axis_index("c")
        s = lax.axis_index("s")
        wid = c * _NS + s
        ebase = wid * _EPWW
        pltpu.sync_copy(zrows.at[pl.ds(s * _RPW, _RPW)],
                        acc.at[pl.ds(s * _RPW, _RPW)])
        plsc.subcore_barrier()

        pltpu.sync_copy(src.at[pl.ds(ebase, _CHW)], idx_sa)
        pltpu.sync_copy(dst.at[pl.ds(ebase, _CHW)], idx_da)
        pltpu.async_copy(table.at[idx_sa], rowsa, sema)

        def body(i, carry):
            j1 = 2 * i + 1
            baseb = pl.multiple_of(ebase + j1 * _CHW, 8)
            pltpu.sync_copy(src.at[pl.ds(baseb, _CHW)], idx_sb)
            pltpu.sync_copy(dst.at[pl.ds(baseb, _CHW)], idx_db)
            pltpu.async_copy(table.at[idx_sb], rowsb, semb)
            pltpu.make_async_copy(table.at[idx_sa], rowsa, sema).wait()
            pltpu.sync_copy(rowsa, acc.at[idx_da], add=True)

            @pl.when(j1 + 1 < _NCW)
            def _():
                basea = pl.multiple_of(ebase + (j1 + 1) * _CHW, 8)
                pltpu.sync_copy(src.at[pl.ds(basea, _CHW)], idx_sa)
                pltpu.sync_copy(dst.at[pl.ds(basea, _CHW)], idx_da)
                pltpu.async_copy(table.at[idx_sa], rowsa, sema)

            pltpu.make_async_copy(table.at[idx_sb], rowsb, semb).wait()
            pltpu.sync_copy(rowsb, acc.at[idx_db], add=True)
            return carry

        lax.fori_loop(0, _NCW // 2, body, 0)
        plsc.subcore_barrier()
        pltpu.sync_copy(acc.at[pl.ds(s * _RPW, _RPW)],
                        out.at[c, pl.ds(s * _RPW, _RPW)])

    return scatter_rows


@functools.cache
def _sc_deg_fn():
    mesh = plsc.VectorSubcoreMesh(core_axis_name="c", subcore_axis_name="s")

    @functools.partial(
        pl.kernel,
        out_type=jax.ShapeDtypeStruct((_NC, _NPAD), jnp.float32),
        mesh=mesh,
        compiler_params=pltpu.CompilerParams(needs_layout_passes=False),
        scratch_types=[
            pltpu.VMEM((_NPAD,), jnp.float32),
            pltpu.VMEM((_DCH,), jnp.int32),
            pltpu.VMEM((_NS, _RPW), jnp.float32),
            pltpu.VMEM((_RPW,), jnp.float32),
            pltpu.VMEM_SHARED((_NS, _NPAD), jnp.float32),
        ],
    )
    def deg_kernel(dst, zdeg, out, hist, idxbuf, buf, res, stage):
        c = lax.axis_index("c")
        s = lax.axis_index("s")
        wid = c * _NS + s
        pltpu.sync_copy(zdeg, hist)
        ones16 = jnp.full((16,), 1.0, jnp.float32)
        for jc in range(_EPW // _DCH):
            base = pl.multiple_of(wid * _EPW + jc * _DCH, 8)
            pltpu.sync_copy(dst.at[pl.ds(base, _DCH)], idxbuf)

            def body(k, carry):
                idx16 = idxbuf[pl.ds(k * 16, 16)]
                plsc.addupdate_scatter(hist, [idx16], ones16)
                return carry

            lax.fori_loop(0, _DCH // 16, body, 0)
        pltpu.sync_copy(hist, stage.at[s])
        plsc.subcore_barrier()
        pltpu.sync_copy(stage.at[:, pl.ds(s * _RPW, _RPW)], buf)

        def rbody(j, carry):
            v = buf[0, pl.ds(j * 16, 16)]
            for t in range(1, _NS):
                v = v + buf[t, pl.ds(j * 16, 16)]
            res[pl.ds(j * 16, 16)] = v
            return carry

        lax.fori_loop(0, _RPW // 16, rbody, 0)
        pltpu.sync_copy(res, out.at[c, pl.ds(s * _RPW, _RPW)])

    return deg_kernel


def _tc_pre(x, dega, degb, W1, b1, W2, b2):
    def body(x_ref, da, db, w1, b1r, w2, b2r, h_ref, hp_ref, dinv_ref):
        deg = da[...] + db[...]
        good = deg > 0
        dinv = jnp.where(good, lax.rsqrt(jnp.where(good, deg, 1.0)), 0.0)
        z = _act(jnp.dot(x_ref[...], w1[...],
                         preferred_element_type=jnp.float32) + b1r[...])
        h = _act(jnp.dot(z, w2[...],
                         preferred_element_type=jnp.float32) + b2r[...])
        h_ref[...] = h
        hp_ref[...] = h * dinv
        dinv_ref[...] = dinv

    rowspec = pl.BlockSpec((_R, _D), lambda i: (i, 0))
    colspec = pl.BlockSpec((_R, 1), lambda i: (i, 0))
    wspec = pl.BlockSpec((_D, _D), lambda i: (0, 0))
    bspec = pl.BlockSpec((1, _D), lambda i: (0, 0))
    return pl.pallas_call(
        body,
        grid=(_NBLK,),
        in_specs=[rowspec, colspec, colspec, wspec, bspec, wspec, bspec],
        out_specs=[rowspec, rowspec, colspec],
        out_shape=[
            jax.ShapeDtypeStruct((_NPAD, _D), jnp.float32),
            jax.ShapeDtypeStruct((_NPAD, _D), jnp.float32),
            jax.ShapeDtypeStruct((_NPAD, 1), jnp.float32),
        ],
    )(x, dega, degb, W1, b1.reshape(1, _D), W2, b2.reshape(1, _D))


def _tc_mid(s1a, s1b, dinv):
    def body(a, b, dv_ref, tx1_ref, u_ref):
        dv = dv_ref[...]
        tx1 = -dv * (a[...] + b[...])
        tx1_ref[...] = tx1
        u_ref[...] = dv * tx1

    rowspec = pl.BlockSpec((_R, _D), lambda i: (i, 0))
    colspec = pl.BlockSpec((_R, 1), lambda i: (i, 0))
    return pl.pallas_call(
        body,
        grid=(_NBLK,),
        in_specs=[rowspec, rowspec, colspec],
        out_specs=[rowspec, rowspec],
        out_shape=[
            jax.ShapeDtypeStruct((_NPAD, _D), jnp.float32),
            jax.ShapeDtypeStruct((_NPAD, _D), jnp.float32),
        ],
    )(s1a, s1b, dinv)


def _tc_post(h, tx1, s2a, s2b, dinv, gp, gpT, Wc0, Wc1, Wc2, bc,
             W3, b3, W4, b4, xLx, W8, b8, W9, b9, W5, b5, W6, b6,
             W7a, W7b, b7):
    DW = _WIDTH * _D

    def body(h_ref, tx1_ref, a_ref, b_ref, dv_ref, gp_ref, gpt_ref,
             wc0, wc1, wc2, bcr, w3, b3r, w4, b4r, xlx, w8, b8r, w9, b9r,
             w5, b5r, w6, b6r, w7a, w7b, b7r, out_ref, hg_acc):
        i = pl.program_id(0)

        @pl.when(i == 0)
        def _():
            hg_acc[...] = jnp.zeros_like(hg_acc)

        tx2 = -2.0 * dv_ref[...] * (a_ref[...] + b_ref[...]) - h_ref[...]
        hf = (jnp.dot(h_ref[...], wc0[...], preferred_element_type=jnp.float32)
              + jnp.dot(tx1_ref[...], wc1[...], preferred_element_type=jnp.float32)
              + jnp.dot(tx2, wc2[...], preferred_element_type=jnp.float32)
              + bcr[...])
        h2 = _act(jnp.dot(hf, w3[...], preferred_element_type=jnp.float32) + b3r[...])
        h2 = _act(jnp.dot(h2, w4[...], preferred_element_type=jnp.float32) + b4r[...])
        t = _act(jnp.dot(xlx[...], w8[...], preferred_element_type=jnp.float32) + b8r[...])
        t = _act(jnp.dot(t, w9[...], preferred_element_type=jnp.float32) + b9r[...])
        oh = (gpt_ref[...] > 0).astype(jnp.float32)
        tg = jnp.dot(oh, t, preferred_element_type=jnp.float32)
        scores = jnp.sum(h2 * tg, axis=1, keepdims=True)
        w = h2 * scores
        hg_acc[...] += jnp.dot(gp_ref[...], w, preferred_element_type=jnp.float32)

        @pl.when(i == _NBLK - 1)
        def _():
            xl = jnp.dot(xlx[...], w5[...], preferred_element_type=jnp.float32) + b5r[...]
            xl = _act(jnp.dot(xl, w6[...], preferred_element_type=jnp.float32) + b6r[...])
            out_ref[...] = (
                jnp.dot(hg_acc[...], w7a[...], preferred_element_type=jnp.float32)
                + jnp.dot(xl, w7b[...], preferred_element_type=jnp.float32)
                + b7r[...])

    rowspec = pl.BlockSpec((_R, _D), lambda i: (i, 0))
    colspec = pl.BlockSpec((_R, 1), lambda i: (i, 0))

    def cspec(shape):
        return pl.BlockSpec(shape, lambda i: tuple(0 for _ in shape))

    return pl.pallas_call(
        body,
        grid=(_NBLK,),
        in_specs=[
            rowspec, rowspec, rowspec, rowspec, colspec,
            pl.BlockSpec((_G, _R), lambda i: (0, i)),
            pl.BlockSpec((_R, _G), lambda i: (i, 0)),
            cspec((_D, DW)), cspec((_D, DW)), cspec((_D, DW)), cspec((1, DW)),
            cspec((DW, _H)), cspec((1, _H)), cspec((_H, _H)), cspec((1, _H)),
            cspec((_G, _D)), cspec((_D, _H)), cspec((1, _H)),
            cspec((_H, _H)), cspec((1, _H)),
            cspec((_D, _H)), cspec((1, _H)), cspec((_H, _H)), cspec((1, _H)),
            cspec((_H, _NCLASS)), cspec((_H, _NCLASS)), cspec((1, _NCLASS)),
        ],
        out_specs=pl.BlockSpec((_G, _NCLASS), lambda i: (0, 0)),
        out_shape=jax.ShapeDtypeStruct((_G, _NCLASS), jnp.float32),
        scratch_shapes=[pltpu.VMEM((_G, _H), jnp.float32)],
    )(h, tx1, s2a, s2b, dinv, gp, gpT,
      Wc0, Wc1, Wc2, bc, W3, b3.reshape(1, _H), W4, b4.reshape(1, _H),
      xLx, W8, b8.reshape(1, _H), W9, b9.reshape(1, _H),
      W5, b5.reshape(1, _H), W6, b6.reshape(1, _H),
      W7a, W7b, b7.reshape(1, _NCLASS))


def kernel(features_list, edge_index, xLx_batch, graph_id, graphpool,
           W1, b1, W2, b2, W3, b3, W4, b4, W5, b5, W6, b6, W7, b7,
           W8, b8, W9, b9, cheb_W, cheb_b):
    del graph_id
    src = edge_index[0]
    dst = edge_index[1]
    npad_s = _SRCROWS * _CH - _E
    npad_e = _EPAD - _E
    src2 = jnp.concatenate([src, jnp.full((npad_s,), _N, jnp.int32)]
                           ).reshape(_SRCROWS, _CH)
    padrows = _N + (jnp.arange(npad_e, dtype=jnp.int32) % (_NPAD - _N))
    dst1 = jnp.concatenate([dst, padrows])
    zrows = jnp.zeros((_NPAD, _D), jnp.float32)
    zdeg = jnp.zeros((_NPAD,), jnp.float32)
    xpad = jnp.pad(features_list, ((0, _NPAD - _N), (0, 0)))
    gp = jnp.pad(graphpool, ((0, 0), (0, _NPAD - _N)))

    degs = _sc_deg_fn()(dst, zdeg).reshape(_NC, _NPAD, 1)
    h, hp, dinv = _tc_pre(xpad, degs[0], degs[1], W1, b1, W2, b2)
    npad_e = _NW * _EPWW - _E
    srcp = jnp.concatenate([src, jnp.full((npad_e,), _N, jnp.int32)])
    dstp = jnp.concatenate(
        [dst, _N + (jnp.arange(npad_e, dtype=jnp.int32) % (_NPAD - _N))])
    s1 = _sc_scatter_fn_r1()(hp, srcp, dstp, zrows)
    tx1, u = _tc_mid(s1[0], s1[1], dinv)
    s2 = _sc_scatter_fn_r1()(u, srcp, dstp, zrows)

    Wc0 = jnp.transpose(cheb_W[:, 0], (1, 0, 2)).reshape(_D, _WIDTH * _D)
    Wc1 = jnp.transpose(cheb_W[:, 1], (1, 0, 2)).reshape(_D, _WIDTH * _D)
    Wc2 = jnp.transpose(cheb_W[:, 2], (1, 0, 2)).reshape(_D, _WIDTH * _D)
    bc = cheb_b.reshape(1, _WIDTH * _D)
    gpT = gp.T

    return _tc_post(h, tx1, s2[0], s2[1], dinv, gp, gpT,
                    Wc0, Wc1, Wc2, bc, W3, b3, W4, b4,
                    xLx_batch, W8, b8, W9, b9, W5, b5, W6, b6,
                    W7[:_H], W7[_H:], b7)

# --- scband reference (transcript-rebuilt; emitter-appended) ---
"""Pipeline reference for scband-gadgnn-32701880991952 (READ-ONLY COPY).

The authoritative reference and input builder live on the scoring server;
editing this copy changes nothing except your own understanding.
"""

import jax, jax.numpy as jnp
import numpy as np

N = 10000; E = 320000; D = 128; H = 64; G = 64; WIDTH = 4; K = 3; NCLASS = 2


def setup_inputs(seed: int = 0) -> dict:
    key = jax.random.key(seed)
    ks = jax.random.split(key, 16)

    def lin(i, fi, fo):
        return jax.random.normal(ks[i], (fi, fo), jnp.float32) / np.sqrt(fi)

    inp = {}
    inp['features_list'] = jax.random.normal(ks[0], (N, D), jnp.float32)
    inp['edge_index'] = jax.random.randint(ks[1], (2, E), 0, N, dtype=jnp.int32)
    inp['xLx_batch'] = jax.random.normal(ks[2], (G, D), jnp.float32)
    gid = jnp.sort(jax.random.randint(ks[3], (N,), 0, G, dtype=jnp.int32))
    inp['graph_id'] = gid
    onehot = (gid[None, :] == jnp.arange(G)[:, None]).astype(jnp.float32)
    counts = jnp.clip(onehot.sum(1, keepdims=True), 1.0, None)
    inp['graphpool'] = onehot / counts
    inp['W1'] = lin(4, D, D); inp['b1'] = jnp.zeros((D,), jnp.float32)
    inp['W2'] = lin(5, D, D); inp['b2'] = jnp.zeros((D,), jnp.float32)
    inp['W3'] = lin(6, D * WIDTH, H); inp['b3'] = jnp.zeros((H,), jnp.float32)
    inp['W4'] = lin(7, H, H); inp['b4'] = jnp.zeros((H,), jnp.float32)
    inp['W5'] = lin(8, D, H); inp['b5'] = jnp.zeros((H,), jnp.float32)
    inp['W6'] = lin(9, H, H); inp['b6'] = jnp.zeros((H,), jnp.float32)
    inp['W7'] = lin(10, 2 * H, NCLASS); inp['b7'] = jnp.zeros((NCLASS,), jnp.float32)
    inp['W8'] = lin(11, D, H); inp['b8'] = jnp.zeros((H,), jnp.float32)
    inp['W9'] = lin(12, H, H); inp['b9'] = jnp.zeros((H,), jnp.float32)
    inp['cheb_W'] = jax.random.normal(ks[13], (WIDTH, K, D, D), jnp.float32) / np.sqrt(D)
    inp['cheb_b'] = jnp.zeros((WIDTH, D), jnp.float32)
    return inp


def reference(features_list, edge_index, xLx_batch, graph_id, graphpool,
              W1, b1, W2, b2, W3, b3, W4, b4, W5, b5, W6, b6, W7, b7, W8, b8, W9, b9,
              cheb_W, cheb_b):
    act = lambda z: jax.nn.leaky_relu(z, 0.01)
    src, dst = edge_index[0], edge_index[1]
    n = features_list.shape[0]
    # ChebConv sym-normalization with lambda_max=2: L_hat = -D^{-1/2} A D^{-1/2}
    deg = jnp.zeros((n,), features_list.dtype).at[dst].add(1.0)
    dinv = jnp.where(deg > 0, 1.0 / jnp.sqrt(jnp.where(deg > 0, deg, 1.0)), 0.0)
    norm = -(dinv[src] * dinv[dst])

    def prop(hh):
        return jnp.zeros_like(hh).at[dst].add(hh[src] * norm[:, None])

    h = act(features_list @ W1 + b1)
    h = act(h @ W2 + b2)
    outs = []
    for i in range(cheb_W.shape[0]):
        Tx0 = h
        o = Tx0 @ cheb_W[i, 0]
        Tx1 = prop(Tx0)
        o = o + Tx1 @ cheb_W[i, 1]
        Txp, Txpp = Tx1, Tx0
        for k in range(2, cheb_W.shape[1]):
            Txk = 2.0 * prop(Txp) - Txpp
            o = o + Txk @ cheb_W[i, k]
            Txpp, Txp = Txp, Txk
        outs.append(o + cheb_b[i])
    h_final = jnp.concatenate(outs, axis=-1)
    h = act(h_final @ W3 + b3)
    h = act(h @ W4 + b4)
    t = act(xLx_batch @ W8 + b8)
    t = act(t @ W9 + b9)
    # scores[node] = <h[node], tmpscores[graph_of_node]>  (gather per node)
    scores = jnp.sum(h * t[graph_id], axis=-1, keepdims=True)
    temp = (graphpool.T * scores).T
    hg = temp @ h
    xLx = (xLx_batch @ W5 + b5) @ W6 + b6
    xLx = act(xLx)
    out = jnp.concatenate([hg, xLx], axis=-1)
    # normalize=False -> no BatchNorm; dropout p=0.0 (eval) -> identity
    return out @ W7 + b7

if __name__ == "__main__":
    import jax
    _d = setup_inputs()
    print(jax.jit(kernel)(*tuple(_d.values())))

</pallas_src>

<mosaic_0001>
#map = affine_map<(d0, d1) -> (0)>
#map1 = affine_map<(d0, d1) -> (0, 0)>
module attributes {stable_mosaic.version = 14 : i64} {
  func.func @deg_kernel(%arg0: i32, %arg1: i32, %arg2: memref<320000xi32, #tpu.memory_space<hbm>>, %arg3: memref<10240xf32, #tpu.memory_space<hbm>>, %arg4: memref<2x10240xf32, #tpu.memory_space<hbm>>, %arg5: memref<10240xf32, #tpu.memory_space<vmem>>, %arg6: memref<2000xi32, #tpu.memory_space<vmem>>, %arg7: memref<16x640xf32, #tpu.memory_space<vmem>>, %arg8: memref<640xf32, #tpu.memory_space<vmem>>, %arg9: memref<16x10240xf32, #tpu.memory_space<vmem_shared>>) attributes {dimension_semantics = [#tpu.dimension_semantics<core_parallel>, #tpu.dimension_semantics<subcore_parallel>], iteration_bounds = array<i64: 2, 16>, scalar_prefetch = 0 : i64, scratch_operands = 5 : i64, tpu.core_type = #tpu.core_type<sc_vector_subcore>, window_params = [{transform_indices = #map}, {transform_indices = #map}, {transform_indices = #map1}]} {
    %mul3A = arith.constant 16 : i32
    %mul3A_0 = arith.muli %arg0, %mul3A : i32
    %add3A = arith.addi %mul3A_0, %arg1 : i32
    "tpu.region"() ({
      %run_scoped3A = tpu.sem_alloc : memref<!tpu.dma_semaphore, #tpu.memory_space<semaphore_mem>>
      tpu.enqueue_dma source(%arg3 : memref<10240xf32, #tpu.memory_space<hbm>>) target(%arg5 : memref<10240xf32, #tpu.memory_space<vmem>>) target_semaphore(%run_scoped3A : memref<!tpu.dma_semaphore, #tpu.memory_space<semaphore_mem>>)
      tpu.wait_dma2 semaphore(%run_scoped3A : memref<!tpu.dma_semaphore, #tpu.memory_space<semaphore_mem>>) src(%arg3 : memref<10240xf32, #tpu.memory_space<hbm>>) dst(%arg5 : memref<10240xf32, #tpu.memory_space<vmem>>)
      tpu.yield
    }) : () -> ()
    %broadcast_in_dim3A = arith.constant 1.000000e+00 : f32
    %broadcast_in_dim3A_1 = vector.broadcast %broadcast_in_dim3A : f32 to vector<16xf32>
    %mul3A_2 = arith.constant 10000 : i32
    %mul3A_3 = arith.muli %add3A, %mul3A_2 : i32
    %add3A_4 = arith.constant 0 : i32
    %add3A_5 = arith.addi %mul3A_3, %add3A_4 : i32
    %multiple_of3A = tpu.assume_multiple %add3A_5, 8 : i32
    "tpu.region"() ({
      %run_scoped3A = tpu.sem_alloc : memref<!tpu.dma_semaphore, #tpu.memory_space<semaphore_mem>>
      %dma_start3A = tpu.memref_slice %arg2[%multiple_of3A] : memref<320000xi32, #tpu.memory_space<hbm>> -> memref<2000xi32, #tpu.memory_space<hbm>>
      %dma_start3A_65 = tpu.memref_slice %arg2[%multiple_of3A] : memref<320000xi32, #tpu.memory_space<hbm>> -> memref<2000xi32, #tpu.memory_space<hbm>>
      tpu.enqueue_dma source(%dma_start3A_65 : memref<2000xi32, #tpu.memory_space<hbm>>) target(%arg6 : memref<2000xi32, #tpu.memory_space<vmem>>) target_semaphore(%run_scoped3A : memref<!tpu.dma_semaphore, #tpu.memory_space<semaphore_mem>>)
      %dma_wait3A = tpu.memref_slice %arg2[%multiple_of3A] : memref<320000xi32, #tpu.memory_space<hbm>> -> memref<2000xi32, #tpu.memory_space<hbm>>
      %dma_wait3A_66 = tpu.memref_slice %arg2[%multiple_of3A] : memref<320000xi32, #tpu.memory_space<hbm>> -> memref<2000xi32, #tpu.memory_space<hbm>>
      tpu.wait_dma2 semaphore(%run_scoped3A : memref<!tpu.dma_semaphore, #tpu.memory_space<semaphore_mem>>) src(%dma_wait3A_66 : memref<2000xi32, #tpu.memory_space<hbm>>) dst(%arg6 : memref<2000xi32, #tpu.memory_space<vmem>>)
      tpu.yield
    }) : () -> ()
    %scan3A = arith.constant 0 : i32
    %scan3A_6 = arith.constant 0 : i32
    %scan3A_7 = arith.constant 125 : i32
    %scan3A_8 = arith.addi %scan3A_6, %scan3A_7 : i32
    %scan3A_9 = arith.constant 1 : i32
    scf.for %scan3A_65 = %scan3A_6 to %scan3A_8 step %scan3A_9  : i32 {
      %mul3A_66 = arith.constant 16 : i32
      %mul3A_67 = arith.muli %scan3A_65, %mul3A_66 : i32
      %get3A = arith.index_cast %mul3A_67 : i32 to index
      %get3A_68 = tpu.vector_load %arg6[%get3A] {strides = array<i32>} : memref<2000xi32, #tpu.memory_space<vmem>>, vector<16xi32>,
      tpu.vector_store_idx %arg5[%get3A_68], %broadcast_in_dim3A_1 {add = true} : memref<10240xf32, #tpu.memory_space<vmem>>[vector<16xi32>], vector<16xf32>,
    }
    %scan3A_10 = arith.constant 125 : i32
    %mul3A_11 = arith.constant 10000 : i32
    %mul3A_12 = arith.muli %add3A, %mul3A_11 : i32
    %add3A_13 = arith.constant 2000 : i32
    %add3A_14 = arith.addi %mul3A_12, %add3A_13 : i32
    %multiple_of3A_15 = tpu.assume_multiple %add3A_14, 8 : i32
    "tpu.region"() ({
      %run_scoped3A = tpu.sem_alloc : memref<!tpu.dma_semaphore, #tpu.memory_space<semaphore_mem>>
      %dma_start3A = tpu.memref_slice %arg2[%multiple_of3A_15] : memref<320000xi32, #tpu.memory_space<hbm>> -> memref<2000xi32, #tpu.memory_space<hbm>>
      %dma_start3A_65 = tpu.memref_slice %arg2[%multiple_of3A_15] : memref<320000xi32, #tpu.memory_space<hbm>> -> memref<2000xi32, #tpu.memory_space<hbm>>
      tpu.enqueue_dma source(%dma_start3A_65 : memref<2000xi32, #tpu.memory_space<hbm>>) target(%arg6 : memref<2000xi32, #tpu.memory_space<vmem>>) target_semaphore(%run_scoped3A : memref<!tpu.dma_semaphore, #tpu.memory_space<semaphore_mem>>)
      %dma_wait3A = tpu.memref_slice %arg2[%multiple_of3A_15] : memref<320000xi32, #tpu.memory_space<hbm>> -> memref<2000xi32, #tpu.memory_space<hbm>>
      %dma_wait3A_66 = tpu.memref_slice %arg2[%multiple_of3A_15] : memref<320000xi32, #tpu.memory_space<hbm>> -> memref<2000xi32, #tpu.memory_space<hbm>>
      tpu.wait_dma2 semaphore(%run_scoped3A : memref<!tpu.dma_semaphore, #tpu.memory_space<semaphore_mem>>) src(%dma_wait3A_66 : memref<2000xi32, #tpu.memory_space<hbm>>) dst(%arg6 : memref<2000xi32, #tpu.memory_space<vmem>>)
      tpu.yield
    }) : () -> ()
    %scan3A_16 = arith.constant 0 : i32
    %scan3A_17 = arith.constant 0 : i32
    %scan3A_18 = arith.constant 125 : i32
    %scan3A_19 = arith.addi %scan3A_17, %scan3A_18 : i32
    %scan3A_20 = arith.constant 1 : i32
    scf.for %scan3A_65 = %scan3A_17 to %scan3A_19 step %scan3A_20  : i32 {
      %mul3A_66 = arith.constant 16 : i32
      %mul3A_67 = arith.muli %scan3A_65, %mul3A_66 : i32
      %get3A = arith.index_cast %mul3A_67 : i32 to index
      %get3A_68 = tpu.vector_load %arg6[%get3A] {strides = array<i32>} : memref<2000xi32, #tpu.memory_space<vmem>>, vector<16xi32>,
      tpu.vector_store_idx %arg5[%get3A_68], %broadcast_in_dim3A_1 {add = true} : memref<10240xf32, #tpu.memory_space<vmem>>[vector<16xi32>], vector<16xf32>,
    }
    %scan3A_21 = arith.constant 125 : i32
    %mul3A_22 = arith.constant 10000 : i32
    %mul3A_23 = arith.muli %add3A, %mul3A_22 : i32
    %add3A_24 = arith.constant 4000 : i32
    %add3A_25 = arith.addi %mul3A_23, %add3A_24 : i32
    %multiple_of3A_26 = tpu.assume_multiple %add3A_25, 8 : i32
    "tpu.region"() ({
      %run_scoped3A = tpu.sem_alloc : memref<!tpu.dma_semaphore, #tpu.memory_space<semaphore_mem>>
      %dma_start3A = tpu.memref_slice %arg2[%multiple_of3A_26] : memref<320000xi32, #tpu.memory_space<hbm>> -> memref<2000xi32, #tpu.memory_space<hbm>>
      %dma_start3A_65 = tpu.memref_slice %arg2[%multiple_of3A_26] : memref<320000xi32, #tpu.memory_space<hbm>> -> memref<2000xi32, #tpu.memory_space<hbm>>
      tpu.enqueue_dma source(%dma_start3A_65 : memref<2000xi32, #tpu.memory_space<hbm>>) target(%arg6 : memref<2000xi32, #tpu.memory_space<vmem>>) target_semaphore(%run_scoped3A : memref<!tpu.dma_semaphore, #tpu.memory_space<semaphore_mem>>)
      %dma_wait3A = tpu.memref_slice %arg2[%multiple_of3A_26] : memref<320000xi32, #tpu.memory_space<hbm>> -> memref<2000xi32, #tpu.memory_space<hbm>>
      %dma_wait3A_66 = tpu.memref_slice %arg2[%multiple_of3A_26] : memref<320000xi32, #tpu.memory_space<hbm>> -> memref<2000xi32, #tpu.memory_space<hbm>>
      tpu.wait_dma2 semaphore(%run_scoped3A : memref<!tpu.dma_semaphore, #tpu.memory_space<semaphore_mem>>) src(%dma_wait3A_66 : memref<2000xi32, #tpu.memory_space<hbm>>) dst(%arg6 : memref<2000xi32, #tpu.memory_space<vmem>>)
      tpu.yield
    }) : () -> ()
    %scan3A_27 = arith.constant 0 : i32
    %scan3A_28 = arith.constant 0 : i32
    %scan3A_29 = arith.constant 125 : i32
    %scan3A_30 = arith.addi %scan3A_28, %scan3A_29 : i32
    %scan3A_31 = arith.constant 1 : i32
    scf.for %scan3A_65 = %scan3A_28 to %scan3A_30 step %scan3A_31  : i32 {
      %mul3A_66 = arith.constant 16 : i32
      %mul3A_67 = arith.muli %scan3A_65, %mul3A_66 : i32
      %get3A = arith.index_cast %mul3A_67 : i32 to index
      %get3A_68 = tpu.vector_load %arg6[%get3A] {strides = array<i32>} : memref<2000xi32, #tpu.memory_space<vmem>>, vector<16xi32>,
      tpu.vector_store_idx %arg5[%get3A_68], %broadcast_in_dim3A_1 {add = true} : memref<10240xf32, #tpu.memory_space<vmem>>[vector<16xi32>], vector<16xf32>,
    }
    %scan3A_32 = arith.constant 125 : i32
    %mul3A_33 = arith.constant 10000 : i32
    %mul3A_34 = arith.muli %add3A, %mul3A_33 : i32
    %add3A_35 = arith.constant 6000 : i32
    %add3A_36 = arith.addi %mul3A_34, %add3A_35 : i32
    %multiple_of3A_37 = tpu.assume_multiple %add3A_36, 8 : i32
    "tpu.region"() ({
      %run_scoped3A = tpu.sem_alloc : memref<!tpu.dma_semaphore, #tpu.memory_space<semaphore_mem>>
      %dma_start3A = tpu.memref_slice %arg2[%multiple_of3A_37] : memref<320000xi32, #tpu.memory_space<hbm>> -> memref<2000xi32, #tpu.memory_space<hbm>>
      %dma_start3A_65 = tpu.memref_slice %arg2[%multiple_of3A_37] : memref<320000xi32, #tpu.memory_space<hbm>> -> memref<2000xi32, #tpu.memory_space<hbm>>
      tpu.enqueue_dma source(%dma_start3A_65 : memref<2000xi32, #tpu.memory_space<hbm>>) target(%arg6 : memref<2000xi32, #tpu.memory_space<vmem>>) target_semaphore(%run_scoped3A : memref<!tpu.dma_semaphore, #tpu.memory_space<semaphore_mem>>)
      %dma_wait3A = tpu.memref_slice %arg2[%multiple_of3A_37] : memref<320000xi32, #tpu.memory_space<hbm>> -> memref<2000xi32, #tpu.memory_space<hbm>>
      %dma_wait3A_66 = tpu.memref_slice %arg2[%multiple_of3A_37] : memref<320000xi32, #tpu.memory_space<hbm>> -> memref<2000xi32, #tpu.memory_space<hbm>>
      tpu.wait_dma2 semaphore(%run_scoped3A : memref<!tpu.dma_semaphore, #tpu.memory_space<semaphore_mem>>) src(%dma_wait3A_66 : memref<2000xi32, #tpu.memory_space<hbm>>) dst(%arg6 : memref<2000xi32, #tpu.memory_space<vmem>>)
      tpu.yield
    }) : () -> ()
    %scan3A_38 = arith.constant 0 : i32
    %scan3A_39 = arith.constant 0 : i32
    %scan3A_40 = arith.constant 125 : i32
    %scan3A_41 = arith.addi %scan3A_39, %scan3A_40 : i32
    %scan3A_42 = arith.constant 1 : i32
    scf.for %scan3A_65 = %scan3A_39 to %scan3A_41 step %scan3A_42  : i32 {
      %mul3A_66 = arith.constant 16 : i32
      %mul3A_67 = arith.muli %scan3A_65, %mul3A_66 : i32
      %get3A = arith.index_cast %mul3A_67 : i32 to index
      %get3A_68 = tpu.vector_load %arg6[%get3A] {strides = array<i32>} : memref<2000xi32, #tpu.memory_space<vmem>>, vector<16xi32>,
      tpu.vector_store_idx %arg5[%get3A_68], %broadcast_in_dim3A_1 {add = true} : memref<10240xf32, #tpu.memory_space<vmem>>[vector<16xi32>], vector<16xf32>,
    }
    %scan3A_43 = arith.constant 125 : i32
    %mul3A_44 = arith.constant 10000 : i32
    %mul3A_45 = arith.muli %add3A, %mul3A_44 : i32
    %add3A_46 = arith.constant 8000 : i32
    %add3A_47 = arith.addi %mul3A_45, %add3A_46 : i32
    %multiple_of3A_48 = tpu.assume_multiple %add3A_47, 8 : i32
    "tpu.region"() ({
      %run_scoped3A = tpu.sem_alloc : memref<!tpu.dma_semaphore, #tpu.memory_space<semaphore_mem>>
      %dma_start3A = tpu.memref_slice %arg2[%multiple_of3A_48] : memref<320000xi32, #tpu.memory_space<hbm>> -> memref<2000xi32, #tpu.memory_space<hbm>>
      %dma_start3A_65 = tpu.memref_slice %arg2[%multiple_of3A_48] : memref<320000xi32, #tpu.memory_space<hbm>> -> memref<2000xi32, #tpu.memory_space<hbm>>
      tpu.enqueue_dma source(%dma_start3A_65 : memref<2000xi32, #tpu.memory_space<hbm>>) target(%arg6 : memref<2000xi32, #tpu.memory_space<vmem>>) target_semaphore(%run_scoped3A : memref<!tpu.dma_semaphore, #tpu.memory_space<semaphore_mem>>)
      %dma_wait3A = tpu.memref_slice %arg2[%multiple_of3A_48] : memref<320000xi32, #tpu.memory_space<hbm>> -> memref<2000xi32, #tpu.memory_space<hbm>>
      %dma_wait3A_66 = tpu.memref_slice %arg2[%multiple_of3A_48] : memref<320000xi32, #tpu.memory_space<hbm>> -> memref<2000xi32, #tpu.memory_space<hbm>>
      tpu.wait_dma2 semaphore(%run_scoped3A : memref<!tpu.dma_semaphore, #tpu.memory_space<semaphore_mem>>) src(%dma_wait3A_66 : memref<2000xi32, #tpu.memory_space<hbm>>) dst(%arg6 : memref<2000xi32, #tpu.memory_space<vmem>>)
      tpu.yield
    }) : () -> ()
    %scan3A_49 = arith.constant 0 : i32
    %scan3A_50 = arith.constant 0 : i32
    %scan3A_51 = arith.constant 125 : i32
    %scan3A_52 = arith.addi %scan3A_50, %scan3A_51 : i32
    %scan3A_53 = arith.constant 1 : i32
    scf.for %scan3A_65 = %scan3A_50 to %scan3A_52 step %scan3A_53  : i32 {
      %mul3A_66 = arith.constant 16 : i32
      %mul3A_67 = arith.muli %scan3A_65, %mul3A_66 : i32
      %get3A = arith.index_cast %mul3A_67 : i32 to index
      %get3A_68 = tpu.vector_load %arg6[%get3A] {strides = array<i32>} : memref<2000xi32, #tpu.memory_space<vmem>>, vector<16xi32>,
      tpu.vector_store_idx %arg5[%get3A_68], %broadcast_in_dim3A_1 {add = true} : memref<10240xf32, #tpu.memory_space<vmem>>[vector<16xi32>], vector<16xf32>,
    }
    %scan3A_54 = arith.constant 125 : i32
    "tpu.region"() ({
      %run_scoped3A = tpu.sem_alloc : memref<!tpu.dma_semaphore, #tpu.memory_space<semaphore_mem>>
      %dma_start3A = arith.constant 0 : i32
      %dma_start3A_65 = tpu.memref_slice %arg9[%arg1, %dma_start3A] : memref<16x10240xf32, #tpu.memory_space<vmem_shared>> -> memref<1x10240xf32, #tpu.memory_space<vmem_shared>>
      %dma_start3A_66 = tpu.memref_squeeze %dma_start3A_65 : memref<1x10240xf32, #tpu.memory_space<vmem_shared>> -> memref<10240xf32, #tpu.memory_space<vmem_shared>>
      %dma_start3A_67 = arith.constant 0 : i32
      %dma_start3A_68 = tpu.memref_slice %arg9[%arg1, %dma_start3A_67] : memref<16x10240xf32, #tpu.memory_space<vmem_shared>> -> memref<1x10240xf32, #tpu.memory_space<vmem_shared>>
      %dma_start3A_69 = tpu.memref_squeeze %dma_start3A_68 : memref<1x10240xf32, #tpu.memory_space<vmem_shared>> -> memref<10240xf32, #tpu.memory_space<vmem_shared>>
      tpu.enqueue_dma source(%arg5 : memref<10240xf32, #tpu.memory_space<vmem>>) target(%dma_start3A_69 : memref<10240xf32, #tpu.memory_space<vmem_shared>>) target_semaphore(%run_scoped3A : memref<!tpu.dma_semaphore, #tpu.memory_space<semaphore_mem>>)
      %dma_wait3A = arith.constant 0 : i32
      %dma_wait3A_70 = tpu.memref_slice %arg9[%arg1, %dma_wait3A] : memref<16x10240xf32, #tpu.memory_space<vmem_shared>> -> memref<1x10240xf32, #tpu.memory_space<vmem_shared>>
      %dma_wait3A_71 = tpu.memref_squeeze %dma_wait3A_70 : memref<1x10240xf32, #tpu.memory_space<vmem_shared>> -> memref<10240xf32, #tpu.memory_space<vmem_shared>>
      %dma_wait3A_72 = arith.constant 0 : i32
      %dma_wait3A_73 = tpu.memref_slice %arg9[%arg1, %dma_wait3A_72] : memref<16x10240xf32, #tpu.memory_space<vmem_shared>> -> memref<1x10240xf32, #tpu.memory_space<vmem_shared>>
      %dma_wait3A_74 = tpu.memref_squeeze %dma_wait3A_73 : memref<1x10240xf32, #tpu.memory_space<vmem_shared>> -> memref<10240xf32, #tpu.memory_space<vmem_shared>>
      tpu.wait_dma2 semaphore(%run_scoped3A : memref<!tpu.dma_semaphore, #tpu.memory_space<semaphore_mem>>) src(%arg5 : memref<10240xf32, #tpu.memory_space<vmem>>) dst(%dma_wait3A_74 : memref<10240xf32, #tpu.memory_space<vmem_shared>>)
      tpu.yield
    }) : () -> ()
    %barrier3A = arith.constant 0 : index
    tpu.barrier barrier_id(%barrier3A)
    %mul3A_55 = arith.constant 640 : i32
    %mul3A_56 = arith.muli %arg1, %mul3A_55 : i32
    "tpu.region"() ({
      %run_scoped3A = tpu.sem_alloc : memref<!tpu.dma_semaphore, #tpu.memory_space<semaphore_mem>>
      %dma_start3A = arith.constant 0 : i32
      %dma_start3A_65 = tpu.memref_slice %arg9[%dma_start3A, %mul3A_56] : memref<16x10240xf32, #tpu.memory_space<vmem_shared>> -> memref<16x640xf32, #tpu.memory_space<vmem_shared>>
      %dma_start3A_66 = arith.constant 0 : i32
      %dma_start3A_67 = tpu.memref_slice %arg9[%dma_start3A_66, %mul3A_56] : memref<16x10240xf32, #tpu.memory_space<vmem_shared>> -> memref<16x640xf32, #tpu.memory_space<vmem_shared>>
      tpu.enqueue_dma source(%dma_start3A_67 : memref<16x640xf32, #tpu.memory_space<vmem_shared>>) target(%arg7 : memref<16x640xf32, #tpu.memory_space<vmem>>) target_semaphore(%run_scoped3A : memref<!tpu.dma_semaphore, #tpu.memory_space<semaphore_mem>>)
      %dma_wait3A = arith.constant 0 : i32
      %dma_wait3A_68 = tpu.memref_slice %arg9[%dma_wait3A, %mul3A_56] : memref<16x10240xf32, #tpu.memory_space<vmem_shared>> -> memref<16x640xf32, #tpu.memory_space<vmem_shared>>
      %dma_wait3A_69 = arith.constant 0 : i32
      %dma_wait3A_70 = tpu.memref_slice %arg9[%dma_wait3A_69, %mul3A_56] : memref<16x10240xf32, #tpu.memory_space<vmem_shared>> -> memref<16x640xf32, #tpu.memory_space<vmem_shared>>
      tpu.wait_dma2 semaphore(%run_scoped3A : memref<!tpu.dma_semaphore, #tpu.memory_space<semaphore_mem>>) src(%dma_wait3A_70 : memref<16x640xf32, #tpu.memory_space<vmem_shared>>) dst(%arg7 : memref<16x640xf32, #tpu.memory_space<vmem>>)
      tpu.yield
    }) : () -> ()
    %scan3A_57 = arith.constant 0 : i32
    %scan3A_58 = arith.constant 0 : i32
    %scan3A_59 = arith.constant 40 : i32
    %scan3A_60 = arith.addi %scan3A_58, %scan3A_59 : i32
    %scan3A_61 = arith.constant 1 : i32
    scf.for %scan3A_65 = %scan3A_58 to %scan3A_60 step %scan3A_61  : i32 {
      %mul3A_66 = arith.constant 16 : i32
      %mul3A_67 = arith.muli %scan3A_65, %mul3A_66 : i32
      %get3A = arith.constant 0 : i32
      %get3A_68 = arith.index_cast %get3A : i32 to index
      %get3A_69 = arith.index_cast %mul3A_67 : i32 to index
      %get3A_70 = tpu.vector_load %arg7[%get3A_68, %get3A_69] {strides = array<i32>} : memref<16x640xf32, #tpu.memory_space<vmem>>, vector<16xf32>,
      %mul3A_71 = arith.constant 16 : i32
      %mul3A_72 = arith.muli %scan3A_65, %mul3A_71 : i32
      %get3A_73 = arith.constant 1 : i32
      %get3A_74 = arith.index_cast %get3A_73 : i32 to index
      %get3A_75 = arith.index_cast %mul3A_72 : i32 to index
      %get3A_76 = tpu.vector_load %arg7[%get3A_74, %get3A_75] {strides = array<i32>} : memref<16x640xf32, #tpu.memory_space<vmem>>, vector<16xf32>,
      %add3A_77 = arith.addf %get3A_70, %get3A_76 : vector<16xf32>
      %mul3A_78 = arith.constant 16 : i32
      %mul3A_79 = arith.muli %scan3A_65, %mul3A_78 : i32
      %get3A_80 = arith.constant 2 : i32
      %get3A_81 = arith.index_cast %get3A_80 : i32 to index
      %get3A_82 = arith.index_cast %mul3A_79 : i32 to index
      %get3A_83 = tpu.vector_load %arg7[%get3A_81, %get3A_82] {strides = array<i32>} : memref<16x640xf32, #tpu.memory_space<vmem>>, vector<16xf32>,
      %add3A_84 = arith.addf %add3A_77, %get3A_83 : vector<16xf32>
      %mul3A_85 = arith.constant 16 : i32
      %mul3A_86 = arith.muli %scan3A_65, %mul3A_85 : i32
      %get3A_87 = arith.constant 3 : i32
      %get3A_88 = arith.index_cast %get3A_87 : i32 to index
      %get3A_89 = arith.index_cast %mul3A_86 : i32 to index
      %get3A_90 = tpu.vector_load %arg7[%get3A_88, %get3A_89] {strides = array<i32>} : memref<16x640xf32, #tpu.memory_space<vmem>>, vector<16xf32>,
      %add3A_91 = arith.addf %add3A_84, %get3A_90 : vector<16xf32>
      %mul3A_92 = arith.constant 16 : i32
      %mul3A_93 = arith.muli %scan3A_65, %mul3A_92 : i32
      %get3A_94 = arith.constant 4 : i32
      %get3A_95 = arith.index_cast %get3A_94 : i32 to index
      %get3A_96 = arith.index_cast %mul3A_93 : i32 to index
      %get3A_97 = tpu.vector_load %arg7[%get3A_95, %get3A_96] {strides = array<i32>} : memref<16x640xf32, #tpu.memory_space<vmem>>, vector<16xf32>,
      %add3A_98 = arith.addf %add3A_91, %get3A_97 : vector<16xf32>
      %mul3A_99 = arith.constant 16 : i32
      %mul3A_100 = arith.muli %scan3A_65, %mul3A_99 : i32
      %get3A_101 = arith.constant 5 : i32
      %get3A_102 = arith.index_cast %get3A_101 : i32 to index
      %get3A_103 = arith.index_cast %mul3A_100 : i32 to index
      %get3A_104 = tpu.vector_load %arg7[%get3A_102, %get3A_103] {strides = array<i32>} : memref<16x640xf32, #tpu.memory_space<vmem>>, vector<16xf32>,
      %add3A_105 = arith.addf %add3A_98, %get3A_104 : vector<16xf32>
      %mul3A_106 = arith.constant 16 : i32
      %mul3A_107 = arith.muli %scan3A_65, %mul3A_106 : i32
      %get3A_108 = arith.constant 6 : i32
      %get3A_109 = arith.index_cast %get3A_108 : i32 to index
      %get3A_110 = arith.index_cast %mul3A_107 : i32 to index
      %get3A_111 = tpu.vector_load %arg7[%get3A_109, %get3A_110] {strides = array<i32>} : memref<16x640xf32, #tpu.memory_space<vmem>>, vector<16xf32>,
      %add3A_112 = arith.addf %add3A_105, %get3A_111 : vector<16xf32>
      %mul3A_113 = arith.constant 16 : i32
      %mul3A_114 = arith.muli %scan3A_65, %mul3A_113 : i32
      %get3A_115 = arith.constant 7 : i32
      %get3A_116 = arith.index_cast %get3A_115 : i32 to index
      %get3A_117 = arith.index_cast %mul3A_114 : i32 to index
      %get3A_118 = tpu.vector_load %arg7[%get3A_116, %get3A_117] {strides = array<i32>} : memref<16x640xf32, #tpu.memory_space<vmem>>, vector<16xf32>,
      %add3A_119 = arith.addf %add3A_112, %get3A_118 : vector<16xf32>
      %mul3A_120 = arith.constant 16 : i32
      %mul3A_121 = arith.muli %scan3A_65, %mul3A_120 : i32
      %get3A_122 = arith.constant 8 : i32
      %get3A_123 = arith.index_cast %get3A_122 : i32 to index
      %get3A_124 = arith.index_cast %mul3A_121 : i32 to index
      %get3A_125 = tpu.vector_load %arg7[%get3A_123, %get3A_124] {strides = array<i32>} : memref<16x640xf32, #tpu.memory_space<vmem>>, vector<16xf32>,
      %add3A_126 = arith.addf %add3A_119, %get3A_125 : vector<16xf32>
      %mul3A_127 = arith.constant 16 : i32
      %mul3A_128 = arith.muli %scan3A_65, %mul3A_127 : i32
      %get3A_129 = arith.constant 9 : i32
      %get3A_130 = arith.index_cast %get3A_129 : i32 to index
      %get3A_131 = arith.index_cast %mul3A_128 : i32 to index
      %get3A_132 = tpu.vector_load %arg7[%get3A_130, %get3A_131] {strides = array<i32>} : memref<16x640xf32, #tpu.memory_space<vmem>>, vector<16xf32>,
      %add3A_133 = arith.addf %add3A_126, %get3A_132 : vector<16xf32>
      %mul3A_134 = arith.constant 16 : i32
      %mul3A_135 = arith.muli %scan3A_65, %mul3A_134 : i32
      %get3A_136 = arith.constant 10 : i32
      %get3A_137 = arith.index_cast %get3A_136 : i32 to index
      %get3A_138 = arith.index_cast %mul3A_135 : i32 to index
      %get3A_139 = tpu.vector_load %arg7[%get3A_137, %get3A_138] {strides = array<i32>} : memref<16x640xf32, #tpu.memory_space<vmem>>, vector<16xf32>,
      %add3A_140 = arith.addf %add3A_133, %get3A_139 : vector<16xf32>
      %mul3A_141 = arith.constant 16 : i32
      %mul3A_142 = arith.muli %scan3A_65, %mul3A_141 : i32
      %get3A_143 = arith.constant 11 : i32
      %get3A_144 = arith.index_cast %get3A_143 : i32 to index
      %get3A_145 = arith.index_cast %mul3A_142 : i32 to index
      %get3A_146 = tpu.vector_load %arg7[%get3A_144, %get3A_145] {strides = array<i32>} : memref<16x640xf32, #tpu.memory_space<vmem>>, vector<16xf32>,
      %add3A_147 = arith.addf %add3A_140, %get3A_146 : vector<16xf32>
      %mul3A_148 = arith.constant 16 : i32
      %mul3A_149 = arith.muli %scan3A_65, %mul3A_148 : i32
      %get3A_150 = arith.constant 12 : i32
      %get3A_151 = arith.index_cast %get3A_150 : i32 to index
      %get3A_152 = arith.index_cast %mul3A_149 : i32 to index
      %get3A_153 = tpu.vector_load %arg7[%get3A_151, %get3A_152] {strides = array<i32>} : memref<16x640xf32, #tpu.memory_space<vmem>>, vector<16xf32>,
      %add3A_154 = arith.addf %add3A_147, %get3A_153 : vector<16xf32>
      %mul3A_155 = arith.constant 16 : i32
      %mul3A_156 = arith.muli %scan3A_65, %mul3A_155 : i32
      %get3A_157 = arith.constant 13 : i32
      %get3A_158 = arith.index_cast %get3A_157 : i32 to index
      %get3A_159 = arith.index_cast %mul3A_156 : i32 to index
      %get3A_160 = tpu.vector_load %arg7[%get3A_158, %get3A_159] {strides = array<i32>} : memref<16x640xf32, #tpu.memory_space<vmem>>, vector<16xf32>,
      %add3A_161 = arith.addf %add3A_154, %get3A_160 : vector<16xf32>
      %mul3A_162 = arith.constant 16 : i32
      %mul3A_163 = arith.muli %scan3A_65, %mul3A_162 : i32
      %get3A_164 = arith.constant 14 : i32
      %get3A_165 = arith.index_cast %get3A_164 : i32 to index
      %get3A_166 = arith.index_cast %mul3A_163 : i32 to index
      %get3A_167 = tpu.vector_load %arg7[%get3A_165, %get3A_166] {strides = array<i32>} : memref<16x640xf32, #tpu.memory_space<vmem>>, vector<16xf32>,
      %add3A_168 = arith.addf %add3A_161, %get3A_167 : vector<16xf32>
      %mul3A_169 = arith.constant 16 : i32
      %mul3A_170 = arith.muli %scan3A_65, %mul3A_169 : i32
      %get3A_171 = arith.constant 15 : i32
      %get3A_172 = arith.index_cast %get3A_171 : i32 to index
      %get3A_173 = arith.index_cast %mul3A_170 : i32 to index
      %get3A_174 = tpu.vector_load %arg7[%get3A_172, %get3A_173] {strides = array<i32>} : memref<16x640xf32, #tpu.memory_space<vmem>>, vector<16xf32>,
      %add3A_175 = arith.addf %add3A_168, %get3A_174 : vector<16xf32>
      %mul3A_176 = arith.constant 16 : i32
      %mul3A_177 = arith.muli %scan3A_65, %mul3A_176 : i32
      %swap3A = arith.index_cast %mul3A_177 : i32 to index
      %swap3A_178 = tpu.vector_load %arg8[%swap3A] {strides = array<i32>} : memref<640xf32, #tpu.memory_space<vmem>>, vector<16xf32>,
      tpu.vector_store %arg8[%swap3A], %add3A_175 {strides = array<i32>} : memref<640xf32, #tpu.memory_space<vmem>>, vector<16xf32>,
    }
    %scan3A_62 = arith.constant 40 : i32
    %mul3A_63 = arith.constant 640 : i32
    %mul3A_64 = arith.muli %arg1, %mul3A_63 : i32
    "tpu.region"() ({
      %run_scoped3A = tpu.sem_alloc : memref<!tpu.dma_semaphore, #tpu.memory_space<semaphore_mem>>
      %dma_start3A = tpu.memref_slice %arg4[%arg0, %mul3A_64] : memref<2x10240xf32, #tpu.memory_space<hbm>> -> memref<1x640xf32, #tpu.memory_space<hbm>>
      %dma_start3A_65 = tpu.memref_squeeze %dma_start3A : memref<1x640xf32, #tpu.memory_space<hbm>> -> memref<640xf32, #tpu.memory_space<hbm>>
      %dma_start3A_66 = tpu.memref_slice %arg4[%arg0, %mul3A_64] : memref<2x10240xf32, #tpu.memory_space<hbm>> -> memref<1x640xf32, #tpu.memory_space<hbm>>
      %dma_start3A_67 = tpu.memref_squeeze %dma_start3A_66 : memref<1x640xf32, #tpu.memory_space<hbm>> -> memref<640xf32, #tpu.memory_space<hbm>>
      tpu.enqueue_dma source(%arg8 : memref<640xf32, #tpu.memory_space<vmem>>) target(%dma_start3A_67 : memref<640xf32, #tpu.memory_space<hbm>>) target_semaphore(%run_scoped3A : memref<!tpu.dma_semaphore, #tpu.memory_space<semaphore_mem>>)
      %dma_wait3A = tpu.memref_slice %arg4[%arg0, %mul3A_64] : memref<2x10240xf32, #tpu.memory_space<hbm>> -> memref<1x640xf32, #tpu.memory_space<hbm>>
      %dma_wait3A_68 = tpu.memref_squeeze %dma_wait3A : memref<1x640xf32, #tpu.memory_space<hbm>> -> memref<640xf32, #tpu.memory_space<hbm>>
      %dma_wait3A_69 = tpu.memref_slice %arg4[%arg0, %mul3A_64] : memref<2x10240xf32, #tpu.memory_space<hbm>> -> memref<1x640xf32, #tpu.memory_space<hbm>>
      %dma_wait3A_70 = tpu.memref_squeeze %dma_wait3A_69 : memref<1x640xf32, #tpu.memory_space<hbm>> -> memref<640xf32, #tpu.memory_space<hbm>>
      tpu.wait_dma2 semaphore(%run_scoped3A : memref<!tpu.dma_semaphore, #tpu.memory_space<semaphore_mem>>) src(%arg8 : memref<640xf32, #tpu.memory_space<vmem>>) dst(%dma_wait3A_70 : memref<640xf32, #tpu.memory_space<hbm>>)
      tpu.yield
    }) : () -> ()
    return
  }
}

#map = affine_map<(d0, d1) -> (0, 0)>
#map1 = affine_map<(d0, d1) -> (0)>
#map2 = affine_map<(d0, d1) -> (0, 0, 0)>
module attributes {stable_mosaic.version = 14 : i64} {
  func.func @scatter_rows(%arg0: i32, %arg1: i32, %arg2: memref<10240x128xf32, #tpu.memory_space<hbm>>, %arg3: memref<327680xi32, #tpu.memory_space<hbm>>, %arg4: memref<327680xi32, #tpu.memory_space<hbm>>, %arg5: memref<10240x128xf32, #tpu.memory_space<hbm>>, %arg6: memref<2x10240x128xf32, #tpu.memory_space<hbm>>, %arg7: memref<128xi32, #tpu.memory_space<vmem>>, %arg8: memref<128xi32, #tpu.memory_space<vmem>>, %arg9: memref<128xi32, #tpu.memory_space<vmem>>, %arg10: memref<128xi32, #tpu.memory_space<vmem>>, %arg11: memref<128x128xf32, #tpu.memory_space<vmem>>, %arg12: memref<128x128xf32, #tpu.memory_space<vmem>>, %arg13: memref<10240x128xf32, #tpu.memory_space<vmem_shared>>, %arg14: memref<!tpu.dma_semaphore, #tpu.memory_space<semaphore_mem>>, %arg15: memref<!tpu.dma_semaphore, #tpu.memory_space<semaphore_mem>>) attributes {dimension_semantics = [#tpu.dimension_semantics<core_parallel>, #tpu.dimension_semantics<subcore_parallel>], iteration_bounds = array<i64: 2, 16>, scalar_prefetch = 0 : i64, scratch_operands = 9 : i64, tpu.core_type = #tpu.core_type<sc_vector_subcore>, window_params = [{transform_indices = #map}, {transform_indices = #map1}, {transform_indices = #map1}, {transform_indices = #map}, {transform_indices = #map2}]} {
    %mul3A = arith.constant 16 : i32
    %mul3A_0 = arith.muli %arg0, %mul3A : i32
    %add3A = arith.addi %mul3A_0, %arg1 : i32
    %mul3A_1 = arith.constant 10240 : i32
    %mul3A_2 = arith.muli %add3A, %mul3A_1 : i32
    %mul3A_3 = arith.constant 640 : i32
    %mul3A_4 = arith.muli %arg1, %mul3A_3 : i32
    %mul3A_5 = arith.constant 640 : i32
    %mul3A_6 = arith.muli %arg1, %mul3A_5 : i32
    "tpu.region"() ({
      %run_scoped3A = tpu.sem_alloc : memref<!tpu.dma_semaphore, #tpu.memory_space<semaphore_mem>>
      %dma_start3A_19 = arith.constant 0 : i32
      %dma_start3A_20 = tpu.memref_slice %arg13[%mul3A_6, %dma_start3A_19] : memref<10240x128xf32, #tpu.memory_space<vmem_shared>> -> memref<640x128xf32, #tpu.memory_space<vmem_shared>>
      %dma_start3A_21 = arith.constant 0 : i32
      %dma_start3A_22 = tpu.memref_slice %arg5[%mul3A_4, %dma_start3A_21] : memref<10240x128xf32, #tpu.memory_space<hbm>> -> memref<640x128xf32, #tpu.memory_space<hbm>>
      tpu.enqueue_dma source(%dma_start3A_22 : memref<640x128xf32, #tpu.memory_space<hbm>>) target(%dma_start3A_20 : memref<640x128xf32, #tpu.memory_space<vmem_shared>>) target_semaphore(%run_scoped3A : memref<!tpu.dma_semaphore, #tpu.memory_space<semaphore_mem>>)
      %dma_wait3A = arith.constant 0 : i32
      %dma_wait3A_23 = tpu.memref_slice %arg13[%mul3A_6, %dma_wait3A] : memref<10240x128xf32, #tpu.memory_space<vmem_shared>> -> memref<640x128xf32, #tpu.memory_space<vmem_shared>>
      %dma_wait3A_24 = arith.constant 0 : i32
      %dma_wait3A_25 = tpu.memref_slice %arg5[%mul3A_4, %dma_wait3A_24] : memref<10240x128xf32, #tpu.memory_space<hbm>> -> memref<640x128xf32, #tpu.memory_space<hbm>>
      tpu.wait_dma2 semaphore(%run_scoped3A : memref<!tpu.dma_semaphore, #tpu.memory_space<semaphore_mem>>) src(%dma_wait3A_25 : memref<640x128xf32, #tpu.memory_space<hbm>>) dst(%dma_wait3A_23 : memref<640x128xf32, #tpu.memory_space<vmem_shared>>)
      tpu.yield
    }) : () -> ()
    %barrier3A = arith.constant 0 : index
    tpu.barrier barrier_id(%barrier3A)
    "tpu.region"() ({
      %run_scoped3A = tpu.sem_alloc : memref<!tpu.dma_semaphore, #tpu.memory_space<semaphore_mem>>
      %dma_start3A_19 = tpu.memref_slice %arg3[%mul3A_2] : memref<327680xi32, #tpu.memory_space<hbm>> -> memref<128xi32, #tpu.memory_space<hbm>>
      %dma_start3A_20 = tpu.memref_slice %arg3[%mul3A_2] : memref<327680xi32, #tpu.memory_space<hbm>> -> memref<128xi32, #tpu.memory_space<hbm>>
      tpu.enqueue_dma source(%dma_start3A_20 : memref<128xi32, #tpu.memory_space<hbm>>) target(%arg7 : memref<128xi32, #tpu.memory_space<vmem>>) target_semaphore(%run_scoped3A : memref<!tpu.dma_semaphore, #tpu.memory_space<semaphore_mem>>)
      %dma_wait3A = tpu.memref_slice %arg3[%mul3A_2] : memref<327680xi32, #tpu.memory_space<hbm>> -> memref<128xi32, #tpu.memory_space<hbm>>
      %dma_wait3A_21 = tpu.memref_slice %arg3[%mul3A_2] : memref<327680xi32, #tpu.memory_space<hbm>> -> memref<128xi32, #tpu.memory_space<hbm>>
      tpu.wait_dma2 semaphore(%run_scoped3A : memref<!tpu.dma_semaphore, #tpu.memory_space<semaphore_mem>>) src(%dma_wait3A_21 : memref<128xi32, #tpu.memory_space<hbm>>) dst(%arg7 : memref<128xi32, #tpu.memory_space<vmem>>)
      tpu.yield
    }) : () -> ()
    "tpu.region"() ({
      %run_scoped3A = tpu.sem_alloc : memref<!tpu.dma_semaphore, #tpu.memory_space<semaphore_mem>>
      %dma_start3A_19 = tpu.memref_slice %arg4[%mul3A_2] : memref<327680xi32, #tpu.memory_space<hbm>> -> memref<128xi32, #tpu.memory_space<hbm>>
      %dma_start3A_20 = tpu.memref_slice %arg4[%mul3A_2] : memref<327680xi32, #tpu.memory_space<hbm>> -> memref<128xi32, #tpu.memory_space<hbm>>
      tpu.enqueue_dma source(%dma_start3A_20 : memref<128xi32, #tpu.memory_space<hbm>>) target(%arg8 : memref<128xi32, #tpu.memory_space<vmem>>) target_semaphore(%run_scoped3A : memref<!tpu.dma_semaphore, #tpu.memory_space<semaphore_mem>>)
      %dma_wait3A = tpu.memref_slice %arg4[%mul3A_2] : memref<327680xi32, #tpu.memory_space<hbm>> -> memref<128xi32, #tpu.memory_space<hbm>>
      %dma_wait3A_21 = tpu.memref_slice %arg4[%mul3A_2] : memref<327680xi32, #tpu.memory_space<hbm>> -> memref<128xi32, #tpu.memory_space<hbm>>
      tpu.wait_dma2 semaphore(%run_scoped3A : memref<!tpu.dma_semaphore, #tpu.memory_space<semaphore_mem>>) src(%dma_wait3A_21 : memref<128xi32, #tpu.memory_space<hbm>>) dst(%arg8 : memref<128xi32, #tpu.memory_space<vmem>>)
      tpu.yield
    }) : () -> ()
    %dma_start3A = arith.constant 0 : i32
    %dma_start3A_7 = arith.constant 0 : i32
    %dma_start3A_8 = tpu.memref_slice %arg2[%dma_start3A, %dma_start3A_7] : memref<10240x128xf32, #tpu.memory_space<hbm>> -> memref<10240x128xf32, #tpu.memory_space<hbm>>
    tpu.enqueue_indirect_dma source(%dma_start3A_8 : memref<10240x128xf32, #tpu.memory_space<hbm>>) target(%arg11 : memref<128x128xf32, #tpu.memory_space<vmem>>) offsets(%arg7 : memref<128xi32, #tpu.memory_space<vmem>>) semaphore(%arg14 : memref<!tpu.dma_semaphore, #tpu.memory_space<semaphore_mem>>)
    %scan3A = arith.constant 0 : i32
    %scan3A_9 = arith.constant 0 : i32
    %scan3A_10 = arith.constant 40 : i32
    %scan3A_11 = arith.addi %scan3A_9, %scan3A_10 : i32
    %scan3A_12 = arith.constant 1 : i32
    scf.for %scan3A_19 = %scan3A_9 to %scan3A_11 step %scan3A_12  : i32 {
      %mul3A_20 = arith.constant 2 : i32
      %mul3A_21 = arith.muli %mul3A_20, %scan3A_19 : i32
      %add3A_22 = arith.constant 1 : i32
      %add3A_23 = arith.addi %mul3A_21, %add3A_22 : i32
      %mul3A_24 = arith.constant 128 : i32
      %mul3A_25 = arith.muli %add3A_23, %mul3A_24 : i32
      %add3A_26 = arith.addi %mul3A_2, %mul3A_25 : i32
      %multiple_of3A = tpu.assume_multiple %add3A_26, 8 : i32
      "tpu.region"() ({
        %run_scoped3A = tpu.sem_alloc : memref<!tpu.dma_semaphore, #tpu.memory_space<semaphore_mem>>
        %dma_start3A_39 = tpu.memref_slice %arg3[%multiple_of3A] : memref<327680xi32, #tpu.memory_space<hbm>> -> memref<128xi32, #tpu.memory_space<hbm>>
        %dma_start3A_40 = tpu.memref_slice %arg3[%multiple_of3A] : memref<327680xi32, #tpu.memory_space<hbm>> -> memref<128xi32, #tpu.memory_space<hbm>>
        tpu.enqueue_dma source(%dma_start3A_40 : memref<128xi32, #tpu.memory_space<hbm>>) target(%arg9 : memref<128xi32, #tpu.memory_space<vmem>>) target_semaphore(%run_scoped3A : memref<!tpu.dma_semaphore, #tpu.memory_space<semaphore_mem>>)
        %dma_wait3A_41 = tpu.memref_slice %arg3[%multiple_of3A] : memref<327680xi32, #tpu.memory_space<hbm>> -> memref<128xi32, #tpu.memory_space<hbm>>
        %dma_wait3A_42 = tpu.memref_slice %arg3[%multiple_of3A] : memref<327680xi32, #tpu.memory_space<hbm>> -> memref<128xi32, #tpu.memory_space<hbm>>
        tpu.wait_dma2 semaphore(%run_scoped3A : memref<!tpu.dma_semaphore, #tpu.memory_space<semaphore_mem>>) src(%dma_wait3A_42 : memref<128xi32, #tpu.memory_space<hbm>>) dst(%arg9 : memref<128xi32, #tpu.memory_space<vmem>>)
        tpu.yield
      }) : () -> ()
      "tpu.region"() ({
        %run_scoped3A = tpu.sem_alloc : memref<!tpu.dma_semaphore, #tpu.memory_space<semaphore_mem>>
        %dma_start3A_39 = tpu.memref_slice %arg4[%multiple_of3A] : memref<327680xi32, #tpu.memory_space<hbm>> -> memref<128xi32, #tpu.memory_space<hbm>>
        %dma_start3A_40 = tpu.memref_slice %arg4[%multiple_of3A] : memref<327680xi32, #tpu.memory_space<hbm>> -> memref<128xi32, #tpu.memory_space<hbm>>
        tpu.enqueue_dma source(%dma_start3A_40 : memref<128xi32, #tpu.memory_space<hbm>>) target(%arg10 : memref<128xi32, #tpu.memory_space<vmem>>) target_semaphore(%run_scoped3A : memref<!tpu.dma_semaphore, #tpu.memory_space<semaphore_mem>>)
        %dma_wait3A_41 = tpu.memref_slice %arg4[%multiple_of3A] : memref<327680xi32, #tpu.memory_space<hbm>> -> memref<128xi32, #tpu.memory_space<hbm>>
        %dma_wait3A_42 = tpu.memref_slice %arg4[%multiple_of3A] : memref<327680xi32, #tpu.memory_space<hbm>> -> memref<128xi32, #tpu.memory_space<hbm>>
        tpu.wait_dma2 semaphore(%run_scoped3A : memref<!tpu.dma_semaphore, #tpu.memory_space<semaphore_mem>>) src(%dma_wait3A_42 : memref<128xi32, #tpu.memory_space<hbm>>) dst(%arg10 : memref<128xi32, #tpu.memory_space<vmem>>)
        tpu.yield
      }) : () -> ()
      %dma_start3A_27 = arith.constant 0 : i32
      %dma_start3A_28 = arith.constant 0 : i32
      %dma_start3A_29 = tpu.memref_slice %arg2[%dma_start3A_27, %dma_start3A_28] : memref<10240x128xf32, #tpu.memory_space<hbm>> -> memref<10240x128xf32, #tpu.memory_space<hbm>>
      tpu.enqueue_indirect_dma source(%dma_start3A_29 : memref<10240x128xf32, #tpu.memory_space<hbm>>) target(%arg12 : memref<128x128xf32, #tpu.memory_space<vmem>>) offsets(%arg9 : memref<128xi32, #tpu.memory_space<vmem>>) semaphore(%arg15 : memref<!tpu.dma_semaphore, #tpu.memory_space<semaphore_mem>>)
      %dma_wait3A = arith.constant 0 : i32
      %dma_wait3A_30 = arith.constant 0 : i32
      %dma_wait3A_31 = tpu.memref_slice %arg2[%dma_wait3A, %dma_wait3A_30] : memref<10240x128xf32, #tpu.memory_space<hbm>> -> memref<10240x128xf32, #tpu.memory_space<hbm>>
      tpu.wait_indirect_dma semaphore(%arg14 : memref<!tpu.dma_semaphore, #tpu.memory_space<semaphore_mem>>) src(%dma_wait3A_31 : memref<10240x128xf32, #tpu.memory_space<hbm>>) dst(%arg11 : memref<128x128xf32, #tpu.memory_space<vmem>>)
      "tpu.region"() ({
        %run_scoped3A = tpu.sem_alloc : memref<!tpu.dma_semaphore, #tpu.memory_space<semaphore_mem>>
        %dma_start3A_39 = arith.constant 0 : i32
        %dma_start3A_40 = arith.constant 0 : i32
        %dma_start3A_41 = tpu.memref_slice %arg13[%dma_start3A_39, %dma_start3A_40] : memref<10240x128xf32, #tpu.memory_space<vmem_shared>> -> memref<10240x128xf32, #tpu.memory_space<vmem_shared>>
        tpu.enqueue_indirect_dma source(%arg11 : memref<128x128xf32, #tpu.memory_space<vmem>>) target(%dma_start3A_41 : memref<10240x128xf32, #tpu.memory_space<vmem_shared>>) offsets(%arg8 : memref<128xi32, #tpu.memory_space<vmem>>) semaphore(%run_scoped3A : memref<!tpu.dma_semaphore, #tpu.memory_space<semaphore_mem>>) {add = true}
        %dma_wait3A_42 = arith.constant 0 : i32
        %dma_wait3A_43 = arith.constant 0 : i32
        %dma_wait3A_44 = tpu.memref_slice %arg13[%dma_wait3A_42, %dma_wait3A_43] : memref<10240x128xf32, #tpu.memory_space<vmem_shared>> -> memref<10240x128xf32, #tpu.memory_space<vmem_shared>>
        tpu.wait_indirect_dma semaphore(%run_scoped3A : memref<!tpu.dma_semaphore, #tpu.memory_space<semaphore_mem>>) src(%arg11 : memref<128x128xf32, #tpu.memory_space<vmem>>) dst(%dma_wait3A_44 : memref<10240x128xf32, #tpu.memory_space<vmem_shared>>)
        tpu.yield
      }) : () -> ()
      %add3A_32 = arith.constant 1 : i32
      %add3A_33 = arith.addi %add3A_23, %add3A_32 : i32
      %lt3A = arith.constant 80 : i32
      %lt3A_34 = arith.cmpi slt, %add3A_33, %lt3A : i32
      %convert_element_type3A = arith.extui %lt3A_34 : i1 to i32
      %cond3A = arith.constant 0 : i32
      %cond3A_35 = arith.cmpi ne, %convert_element_type3A, %cond3A : i32
      scf.if %cond3A_35 {
        %add3A_39 = arith.constant 1 : i32
        %add3A_40 = arith.addi %add3A_23, %add3A_39 : i32
        %mul3A_41 = arith.constant 128 : i32
        %mul3A_42 = arith.muli %add3A_40, %mul3A_41 : i32
        %add3A_43 = arith.addi %mul3A_2, %mul3A_42 : i32
        %multiple_of3A_44 = tpu.assume_multiple %add3A_43, 8 : i32
        "tpu.region"() ({
          %run_scoped3A = tpu.sem_alloc : memref<!tpu.dma_semaphore, #tpu.memory_space<semaphore_mem>>
          %dma_start3A_48 = tpu.memref_slice %arg3[%multiple_of3A_44] : memref<327680xi32, #tpu.memory_space<hbm>> -> memref<128xi32, #tpu.memory_space<hbm>>
          %dma_start3A_49 = tpu.memref_slice %arg3[%multiple_of3A_44] : memref<327680xi32, #tpu.memory_space<hbm>> -> memref<128xi32, #tpu.memory_space<hbm>>
          tpu.enqueue_dma source(%dma_start3A_49 : memref<128xi32, #tpu.memory_space<hbm>>) target(%arg7 : memref<128xi32, #tpu.memory_space<vmem>>) target_semaphore(%run_scoped3A : memref<!tpu.dma_semaphore, #tpu.memory_space<semaphore_mem>>)
          %dma_wait3A_50 = tpu.memref_slice %arg3[%multiple_of3A_44] : memref<327680xi32, #tpu.memory_space<hbm>> -> memref<128xi32, #tpu.memory_space<hbm>>
          %dma_wait3A_51 = tpu.memref_slice %arg3[%multiple_of3A_44] : memref<327680xi32, #tpu.memory_space<hbm>> -> memref<128xi32, #tpu.memory_space<hbm>>
          tpu.wait_dma2 semaphore(%run_scoped3A : memref<!tpu.dma_semaphore, #tpu.memory_space<semaphore_mem>>) src(%dma_wait3A_51 : memref<128xi32, #tpu.memory_space<hbm>>) dst(%arg7 : memref<128xi32, #tpu.memory_space<vmem>>)
          tpu.yield
        }) : () -> ()
        "tpu.region"() ({
          %run_scoped3A = tpu.sem_alloc : memref<!tpu.dma_semaphore, #tpu.memory_space<semaphore_mem>>
          %dma_start3A_48 = tpu.memref_slice %arg4[%multiple_of3A_44] : memref<327680xi32, #tpu.memory_space<hbm>> -> memref<128xi32, #tpu.memory_space<hbm>>
          %dma_start3A_49 = tpu.memref_slice %arg4[%multiple_of3A_44] : memref<327680xi32, #tpu.memory_space<hbm>> -> memref<128xi32, #tpu.memory_space<hbm>>
          tpu.enqueue_dma source(%dma_start3A_49 : memref<128xi32, #tpu.memory_space<hbm>>) target(%arg8 : memref<128xi32, #tpu.memory_space<vmem>>) target_semaphore(%run_scoped3A : memref<!tpu.dma_semaphore, #tpu.memory_space<semaphore_mem>>)
          %dma_wait3A_50 = tpu.memref_slice %arg4[%multiple_of3A_44] : memref<327680xi32, #tpu.memory_space<hbm>> -> memref<128xi32, #tpu.memory_space<hbm>>
          %dma_wait3A_51 = tpu.memref_slice %arg4[%multiple_of3A_44] : memref<327680xi32, #tpu.memory_space<hbm>> -> memref<128xi32, #tpu.memory_space<hbm>>
          tpu.wait_dma2 semaphore(%run_scoped3A : memref<!tpu.dma_semaphore, #tpu.memory_space<semaphore_mem>>) src(%dma_wait3A_51 : memref<128xi32, #tpu.memory_space<hbm>>) dst(%arg8 : memref<128xi32, #tpu.memory_space<vmem>>)
          tpu.yield
        }) : () -> ()
        %dma_start3A_45 = arith.constant 0 : i32
        %dma_start3A_46 = arith.constant 0 : i32
        %dma_start3A_47 = tpu.memref_slice %arg2[%dma_start3A_45, %dma_start3A_46] : memref<10240x128xf32, #tpu.memory_space<hbm>> -> memref<10240x128xf32, #tpu.memory_space<hbm>>
        tpu.enqueue_indirect_dma source(%dma_start3A_47 : memref<10240x128xf32, #tpu.memory_space<hbm>>) target(%arg11 : memref<128x128xf32, #tpu.memory_space<vmem>>) offsets(%arg7 : memref<128xi32, #tpu.memory_space<vmem>>) semaphore(%arg14 : memref<!tpu.dma_semaphore, #tpu.memory_space<semaphore_mem>>)
      } else {
      }
      %dma_wait3A_36 = arith.constant 0 : i32
      %dma_wait3A_37 = arith.constant 0 : i32
      %dma_wait3A_38 = tpu.memref_slice %arg2[%dma_wait3A_36, %dma_wait3A_37] : memref<10240x128xf32, #tpu.memory_space<hbm>> -> memref<10240x128xf32, #tpu.memory_space<hbm>>
      tpu.wait_indirect_dma semaphore(%arg15 : memref<!tpu.dma_semaphore, #tpu.memory_space<semaphore_mem>>) src(%dma_wait3A_38 : memref<10240x128xf32, #tpu.memory_space<hbm>>) dst(%arg12 : memref<128x128xf32, #tpu.memory_space<vmem>>)
      "tpu.region"() ({
        %run_scoped3A = tpu.sem_alloc : memref<!tpu.dma_semaphore, #tpu.memory_space<semaphore_mem>>
        %dma_start3A_39 = arith.constant 0 : i32
        %dma_start3A_40 = arith.constant 0 : i32
        %dma_start3A_41 = tpu.memref_slice %arg13[%dma_start3A_39, %dma_start3A_40] : memref<10240x128xf32, #tpu.memory_space<vmem_shared>> -> memref<10240x128xf32, #tpu.memory_space<vmem_shared>>
        tpu.enqueue_indirect_dma source(%arg12 : memref<128x128xf32, #tpu.memory_space<vmem>>) target(%dma_start3A_41 : memref<10240x128xf32, #tpu.memory_space<vmem_shared>>) offsets(%arg10 : memref<128xi32, #tpu.memory_space<vmem>>) semaphore(%run_scoped3A : memref<!tpu.dma_semaphore, #tpu.memory_space<semaphore_mem>>) {add = true}
        %dma_wait3A_42 = arith.constant 0 : i32
        %dma_wait3A_43 = arith.constant 0 : i32
        %dma_wait3A_44 = tpu.memref_slice %arg13[%dma_wait3A_42, %dma_wait3A_43] : memref<10240x128xf32, #tpu.memory_space<vmem_shared>> -> memref<10240x128xf32, #tpu.memory_space<vmem_shared>>
        tpu.wait_indirect_dma semaphore(%run_scoped3A : memref<!tpu.dma_semaphore, #tpu.memory_space<semaphore_mem>>) src(%arg12 : memref<128x128xf32, #tpu.memory_space<vmem>>) dst(%dma_wait3A_44 : memref<10240x128xf32, #tpu.memory_space<vmem_shared>>)
        tpu.yield
      }) : () -> ()
    }
    %scan3A_13 = arith.constant 40 : i32
    %barrier3A_14 = arith.constant 0 : index
    tpu.barrier barrier_id(%barrier3A_14)
    %mul3A_15 = arith.constant 640 : i32
    %mul3A_16 = arith.muli %arg1, %mul3A_15 : i32
    %mul3A_17 = arith.constant 640 : i32
    %mul3A_18 = arith.muli %arg1, %mul3A_17 : i32
    "tpu.region"() ({
      %run_scoped3A = tpu.sem_alloc : memref<!tpu.dma_semaphore, #tpu.memory_space<semaphore_mem>>
      %dma_start3A_19 = arith.constant 0 : i32
      %dma_start3A_20 = tpu.memref_slice %arg6[%arg0, %mul3A_18, %dma_start3A_19] : memref<2x10240x128xf32, #tpu.memory_space<hbm>> -> memref<1x640x128xf32, #tpu.memory_space<hbm>>
      %dma_start3A_21 = tpu.memref_squeeze %dma_start3A_20 : memref<1x640x128xf32, #tpu.memory_space<hbm>> -> memref<640x128xf32, #tpu.memory_space<hbm>>
      %dma_start3A_22 = arith.constant 0 : i32
      %dma_start3A_23 = tpu.memref_slice %arg13[%mul3A_16, %dma_start3A_22] : memref<10240x128xf32, #tpu.memory_space<vmem_shared>> -> memref<640x128xf32, #tpu.memory_space<vmem_shared>>
      tpu.enqueue_dma source(%dma_start3A_23 : memref<640x128xf32, #tpu.memory_space<vmem_shared>>) target(%dma_start3A_21 : memref<640x128xf32, #tpu.memory_space<hbm>>) target_semaphore(%run_scoped3A : memref<!tpu.dma_semaphore, #tpu.memory_space<semaphore_mem>>)
      %dma_wait3A = arith.constant 0 : i32
      %dma_wait3A_24 = tpu.memref_slice %arg6[%arg0, %mul3A_18, %dma_wait3A] : memref<2x10240x128xf32, #tpu.memory_space<hbm>> -> memref<1x640x128xf32, #tpu.memory_space<hbm>>
      %dma_wait3A_25 = tpu.memref_squeeze %dma_wait3A_24 : memref<1x640x128xf32, #tpu.memory_space<hbm>> -> memref<640x128xf32, #tpu.memory_space<hbm>>
      %dma_wait3A_26 = arith.constant 0 : i32
      %dma_wait3A_27 = tpu.memref_slice %arg13[%mul3A_16, %dma_wait3A_26] : memref<10240x128xf32, #tpu.memory_space<vmem_shared>> -> memref<640x128xf32, #tpu.memory_space<vmem_shared>>
      tpu.wait_dma2 semaphore(%run_scoped3A : memref<!tpu.dma_semaphore, #tpu.memory_space<semaphore_mem>>) src(%dma_wait3A_27 : memref<640x128xf32, #tpu.memory_space<vmem_shared>>) dst(%dma_wait3A_25 : memref<640x128xf32, #tpu.memory_space<hbm>>)
      tpu.yield
    }) : () -> ()
    return
  }
}

#map = affine_map<(d0, d1) -> (0, 0)>
#map1 = affine_map<(d0, d1) -> (0)>
#map2 = affine_map<(d0, d1) -> (0, 0, 0)>
module attributes {stable_mosaic.version = 14 : i64} {
  func.func @scatter_rows(%arg0: i32, %arg1: i32, %arg2: memref<10240x128xf32, #tpu.memory_space<hbm>>, %arg3: memref<327680xi32, #tpu.memory_space<hbm>>, %arg4: memref<327680xi32, #tpu.memory_space<hbm>>, %arg5: memref<10240x128xf32, #tpu.memory_space<hbm>>, %arg6: memref<2x10240x128xf32, #tpu.memory_space<hbm>>, %arg7: memref<128xi32, #tpu.memory_space<vmem>>, %arg8: memref<128xi32, #tpu.memory_space<vmem>>, %arg9: memref<128xi32, #tpu.memory_space<vmem>>, %arg10: memref<128xi32, #tpu.memory_space<vmem>>, %arg11: memref<128x128xf32, #tpu.memory_space<vmem>>, %arg12: memref<128x128xf32, #tpu.memory_space<vmem>>, %arg13: memref<10240x128xf32, #tpu.memory_space<vmem_shared>>, %arg14: memref<!tpu.dma_semaphore, #tpu.memory_space<semaphore_mem>>, %arg15: memref<!tpu.dma_semaphore, #tpu.memory_space<semaphore_mem>>) attributes {dimension_semantics = [#tpu.dimension_semantics<core_parallel>, #tpu.dimension_semantics<subcore_parallel>], iteration_bounds = array<i64: 2, 16>, scalar_prefetch = 0 : i64, scratch_operands = 9 : i64, tpu.core_type = #tpu.core_type<sc_vector_subcore>, window_params = [{transform_indices = #map}, {transform_indices = #map1}, {transform_indices = #map1}, {transform_indices = #map}, {transform_indices = #map2}]} {
    %mul3A = arith.constant 16 : i32
    %mul3A_0 = arith.muli %arg0, %mul3A : i32
    %add3A = arith.addi %mul3A_0, %arg1 : i32
    %mul3A_1 = arith.constant 10240 : i32
    %mul3A_2 = arith.muli %add3A, %mul3A_1 : i32
    %mul3A_3 = arith.constant 640 : i32
    %mul3A_4 = arith.muli %arg1, %mul3A_3 : i32
    %mul3A_5 = arith.constant 640 : i32
    %mul3A_6 = arith.muli %arg1, %mul3A_5 : i32
    "tpu.region"() ({
      %run_scoped3A = tpu.sem_alloc : memref<!tpu.dma_semaphore, #tpu.memory_space<semaphore_mem>>
      %dma_start3A_19 = arith.constant 0 : i32
      %dma_start3A_20 = tpu.memref_slice %arg13[%mul3A_6, %dma_start3A_19] : memref<10240x128xf32, #tpu.memory_space<vmem_shared>> -> memref<640x128xf32, #tpu.memory_space<vmem_shared>>
      %dma_start3A_21 = arith.constant 0 : i32
      %dma_start3A_22 = tpu.memref_slice %arg5[%mul3A_4, %dma_start3A_21] : memref<10240x128xf32, #tpu.memory_space<hbm>> -> memref<640x128xf32, #tpu.memory_space<hbm>>
      tpu.enqueue_dma source(%dma_start3A_22 : memref<640x128xf32, #tpu.memory_space<hbm>>) target(%dma_start3A_20 : memref<640x128xf32, #tpu.memory_space<vmem_shared>>) target_semaphore(%run_scoped3A : memref<!tpu.dma_semaphore, #tpu.memory_space<semaphore_mem>>)
      %dma_wait3A = arith.constant 0 : i32
      %dma_wait3A_23 = tpu.memref_slice %arg13[%mul3A_6, %dma_wait3A] : memref<10240x128xf32, #tpu.memory_space<vmem_shared>> -> memref<640x128xf32, #tpu.memory_space<vmem_shared>>
      %dma_wait3A_24 = arith.constant 0 : i32
      %dma_wait3A_25 = tpu.memref_slice %arg5[%mul3A_4, %dma_wait3A_24] : memref<10240x128xf32, #tpu.memory_space<hbm>> -> memref<640x128xf32, #tpu.memory_space<hbm>>
      tpu.wait_dma2 semaphore(%run_scoped3A : memref<!tpu.dma_semaphore, #tpu.memory_space<semaphore_mem>>) src(%dma_wait3A_25 : memref<640x128xf32, #tpu.memory_space<hbm>>) dst(%dma_wait3A_23 : memref<640x128xf32, #tpu.memory_space<vmem_shared>>)
      tpu.yield
    }) : () -> ()
    %barrier3A = arith.constant 0 : index
    tpu.barrier barrier_id(%barrier3A)
    "tpu.region"() ({
      %run_scoped3A = tpu.sem_alloc : memref<!tpu.dma_semaphore, #tpu.memory_space<semaphore_mem>>
      %dma_start3A_19 = tpu.memref_slice %arg3[%mul3A_2] : memref<327680xi32, #tpu.memory_space<hbm>> -> memref<128xi32, #tpu.memory_space<hbm>>
      %dma_start3A_20 = tpu.memref_slice %arg3[%mul3A_2] : memref<327680xi32, #tpu.memory_space<hbm>> -> memref<128xi32, #tpu.memory_space<hbm>>
      tpu.enqueue_dma source(%dma_start3A_20 : memref<128xi32, #tpu.memory_space<hbm>>) target(%arg7 : memref<128xi32, #tpu.memory_space<vmem>>) target_semaphore(%run_scoped3A : memref<!tpu.dma_semaphore, #tpu.memory_space<semaphore_mem>>)
      %dma_wait3A = tpu.memref_slice %arg3[%mul3A_2] : memref<327680xi32, #tpu.memory_space<hbm>> -> memref<128xi32, #tpu.memory_space<hbm>>
      %dma_wait3A_21 = tpu.memref_slice %arg3[%mul3A_2] : memref<327680xi32, #tpu.memory_space<hbm>> -> memref<128xi32, #tpu.memory_space<hbm>>
      tpu.wait_dma2 semaphore(%run_scoped3A : memref<!tpu.dma_semaphore, #tpu.memory_space<semaphore_mem>>) src(%dma_wait3A_21 : memref<128xi32, #tpu.memory_space<hbm>>) dst(%arg7 : memref<128xi32, #tpu.memory_space<vmem>>)
      tpu.yield
    }) : () -> ()
    "tpu.region"() ({
      %run_scoped3A = tpu.sem_alloc : memref<!tpu.dma_semaphore, #tpu.memory_space<semaphore_mem>>
      %dma_start3A_19 = tpu.memref_slice %arg4[%mul3A_2] : memref<327680xi32, #tpu.memory_space<hbm>> -> memref<128xi32, #tpu.memory_space<hbm>>
      %dma_start3A_20 = tpu.memref_slice %arg4[%mul3A_2] : memref<327680xi32, #tpu.memory_space<hbm>> -> memref<128xi32, #tpu.memory_space<hbm>>
      tpu.enqueue_dma source(%dma_start3A_20 : memref<128xi32, #tpu.memory_space<hbm>>) target(%arg8 : memref<128xi32, #tpu.memory_space<vmem>>) target_semaphore(%run_scoped3A : memref<!tpu.dma_semaphore, #tpu.memory_space<semaphore_mem>>)
      %dma_wait3A = tpu.memref_slice %arg4[%mul3A_2] : memref<327680xi32, #tpu.memory_space<hbm>> -> memref<128xi32, #tpu.memory_space<hbm>>
      %dma_wait3A_21 = tpu.memref_slice %arg4[%mul3A_2] : memref<327680xi32, #tpu.memory_space<hbm>> -> memref<128xi32, #tpu.memory_space<hbm>>
      tpu.wait_dma2 semaphore(%run_scoped3A : memref<!tpu.dma_semaphore, #tpu.memory_space<semaphore_mem>>) src(%dma_wait3A_21 : memref<128xi32, #tpu.memory_space<hbm>>) dst(%arg8 : memref<128xi32, #tpu.memory_space<vmem>>)
      tpu.yield
    }) : () -> ()
    %dma_start3A = arith.constant 0 : i32
    %dma_start3A_7 = arith.constant 0 : i32
    %dma_start3A_8 = tpu.memref_slice %arg2[%dma_start3A, %dma_start3A_7] : memref<10240x128xf32, #tpu.memory_space<hbm>> -> memref<10240x128xf32, #tpu.memory_space<hbm>>
    tpu.enqueue_indirect_dma source(%dma_start3A_8 : memref<10240x128xf32, #tpu.memory_space<hbm>>) target(%arg11 : memref<128x128xf32, #tpu.memory_space<vmem>>) offsets(%arg7 : memref<128xi32, #tpu.memory_space<vmem>>) semaphore(%arg14 : memref<!tpu.dma_semaphore, #tpu.memory_space<semaphore_mem>>)
    %scan3A = arith.constant 0 : i32
    %scan3A_9 = arith.constant 0 : i32
    %scan3A_10 = arith.constant 40 : i32
    %scan3A_11 = arith.addi %scan3A_9, %scan3A_10 : i32
    %scan3A_12 = arith.constant 1 : i32
    scf.for %scan3A_19 = %scan3A_9 to %scan3A_11 step %scan3A_12  : i32 {
      %mul3A_20 = arith.constant 2 : i32
      %mul3A_21 = arith.muli %mul3A_20, %scan3A_19 : i32
      %add3A_22 = arith.constant 1 : i32
      %add3A_23 = arith.addi %mul3A_21, %add3A_22 : i32
      %mul3A_24 = arith.constant 128 : i32
      %mul3A_25 = arith.muli %add3A_23, %mul3A_24 : i32
      %add3A_26 = arith.addi %mul3A_2, %mul3A_25 : i32
      %multiple_of3A = tpu.assume_multiple %add3A_26, 8 : i32
      "tpu.region"() ({
        %run_scoped3A = tpu.sem_alloc : memref<!tpu.dma_semaphore, #tpu.memory_space<semaphore_mem>>
        %dma_start3A_39 = tpu.memref_slice %arg3[%multiple_of3A] : memref<327680xi32, #tpu.memory_space<hbm>> -> memref<128xi32, #tpu.memory_space<hbm>>
        %dma_start3A_40 = tpu.memref_slice %arg3[%multiple_of3A] : memref<327680xi32, #tpu.memory_space<hbm>> -> memref<128xi32, #tpu.memory_space<hbm>>
        tpu.enqueue_dma source(%dma_start3A_40 : memref<128xi32, #tpu.memory_space<hbm>>) target(%arg9 : memref<128xi32, #tpu.memory_space<vmem>>) target_semaphore(%run_scoped3A : memref<!tpu.dma_semaphore, #tpu.memory_space<semaphore_mem>>)
        %dma_wait3A_41 = tpu.memref_slice %arg3[%multiple_of3A] : memref<327680xi32, #tpu.memory_space<hbm>> -> memref<128xi32, #tpu.memory_space<hbm>>
        %dma_wait3A_42 = tpu.memref_slice %arg3[%multiple_of3A] : memref<327680xi32, #tpu.memory_space<hbm>> -> memref<128xi32, #tpu.memory_space<hbm>>
        tpu.wait_dma2 semaphore(%run_scoped3A : memref<!tpu.dma_semaphore, #tpu.memory_space<semaphore_mem>>) src(%dma_wait3A_42 : memref<128xi32, #tpu.memory_space<hbm>>) dst(%arg9 : memref<128xi32, #tpu.memory_space<vmem>>)
        tpu.yield
      }) : () -> ()
      "tpu.region"() ({
        %run_scoped3A = tpu.sem_alloc : memref<!tpu.dma_semaphore, #tpu.memory_space<semaphore_mem>>
        %dma_start3A_39 = tpu.memref_slice %arg4[%multiple_of3A] : memref<327680xi32, #tpu.memory_space<hbm>> -> memref<128xi32, #tpu.memory_space<hbm>>
        %dma_start3A_40 = tpu.memref_slice %arg4[%multiple_of3A] : memref<327680xi32, #tpu.memory_space<hbm>> -> memref<128xi32, #tpu.memory_space<hbm>>
        tpu.enqueue_dma source(%dma_start3A_40 : memref<128xi32, #tpu.memory_space<hbm>>) target(%arg10 : memref<128xi32, #tpu.memory_space<vmem>>) target_semaphore(%run_scoped3A : memref<!tpu.dma_semaphore, #tpu.memory_space<semaphore_mem>>)
        %dma_wait3A_41 = tpu.memref_slice %arg4[%multiple_of3A] : memref<327680xi32, #tpu.memory_space<hbm>> -> memref<128xi32, #tpu.memory_space<hbm>>
        %dma_wait3A_42 = tpu.memref_slice %arg4[%multiple_of3A] : memref<327680xi32, #tpu.memory_space<hbm>> -> memref<128xi32, #tpu.memory_space<hbm>>
        tpu.wait_dma2 semaphore(%run_scoped3A : memref<!tpu.dma_semaphore, #tpu.memory_space<semaphore_mem>>) src(%dma_wait3A_42 : memref<128xi32, #tpu.memory_space<hbm>>) dst(%arg10 : memref<128xi32, #tpu.memory_space<vmem>>)
        tpu.yield
      }) : () -> ()
      %dma_start3A_27 = arith.constant 0 : i32
      %dma_start3A_28 = arith.constant 0 : i32
      %dma_start3A_29 = tpu.memref_slice %arg2[%dma_start3A_27, %dma_start3A_28] : memref<10240x128xf32, #tpu.memory_space<hbm>> -> memref<10240x128xf32, #tpu.memory_space<hbm>>
      tpu.enqueue_indirect_dma source(%dma_start3A_29 : memref<10240x128xf32, #tpu.memory_space<hbm>>) target(%arg12 : memref<128x128xf32, #tpu.memory_space<vmem>>) offsets(%arg9 : memref<128xi32, #tpu.memory_space<vmem>>) semaphore(%arg15 : memref<!tpu.dma_semaphore, #tpu.memory_space<semaphore_mem>>)
      %dma_wait3A = arith.constant 0 : i32
      %dma_wait3A_30 = arith.constant 0 : i32
      %dma_wait3A_31 = tpu.memref_slice %arg2[%dma_wait3A, %dma_wait3A_30] : memref<10240x128xf32, #tpu.memory_space<hbm>> -> memref<10240x128xf32, #tpu.memory_space<hbm>>
      tpu.wait_indirect_dma semaphore(%arg14 : memref<!tpu.dma_semaphore, #tpu.memory_space<semaphore_mem>>) src(%dma_wait3A_31 : memref<10240x128xf32, #tpu.memory_space<hbm>>) dst(%arg11 : memref<128x128xf32, #tpu.memory_space<vmem>>)
      "tpu.region"() ({
        %run_scoped3A = tpu.sem_alloc : memref<!tpu.dma_semaphore, #tpu.memory_space<semaphore_mem>>
        %dma_start3A_39 = arith.constant 0 : i32
        %dma_start3A_40 = arith.constant 0 : i32
        %dma_start3A_41 = tpu.memref_slice %arg13[%dma_start3A_39, %dma_start3A_40] : memref<10240x128xf32, #tpu.memory_space<vmem_shared>> -> memref<10240x128xf32, #tpu.memory_space<vmem_shared>>
        tpu.enqueue_indirect_dma source(%arg11 : memref<128x128xf32, #tpu.memory_space<vmem>>) target(%dma_start3A_41 : memref<10240x128xf32, #tpu.memory_space<vmem_shared>>) offsets(%arg8 : memref<128xi32, #tpu.memory_space<vmem>>) semaphore(%run_scoped3A : memref<!tpu.dma_semaphore, #tpu.memory_space<semaphore_mem>>) {add = true}
        %dma_wait3A_42 = arith.constant 0 : i32
        %dma_wait3A_43 = arith.constant 0 : i32
        %dma_wait3A_44 = tpu.memref_slice %arg13[%dma_wait3A_42, %dma_wait3A_43] : memref<10240x128xf32, #tpu.memory_space<vmem_shared>> -> memref<10240x128xf32, #tpu.memory_space<vmem_shared>>
        tpu.wait_indirect_dma semaphore(%run_scoped3A : memref<!tpu.dma_semaphore, #tpu.memory_space<semaphore_mem>>) src(%arg11 : memref<128x128xf32, #tpu.memory_space<vmem>>) dst(%dma_wait3A_44 : memref<10240x128xf32, #tpu.memory_space<vmem_shared>>)
        tpu.yield
      }) : () -> ()
      %add3A_32 = arith.constant 1 : i32
      %add3A_33 = arith.addi %add3A_23, %add3A_32 : i32
      %lt3A = arith.constant 80 : i32
      %lt3A_34 = arith.cmpi slt, %add3A_33, %lt3A : i32
      %convert_element_type3A = arith.extui %lt3A_34 : i1 to i32
      %cond3A = arith.constant 0 : i32
      %cond3A_35 = arith.cmpi ne, %convert_element_type3A, %cond3A : i32
      scf.if %cond3A_35 {
        %add3A_39 = arith.constant 1 : i32
        %add3A_40 = arith.addi %add3A_23, %add3A_39 : i32
        %mul3A_41 = arith.constant 128 : i32
        %mul3A_42 = arith.muli %add3A_40, %mul3A_41 : i32
        %add3A_43 = arith.addi %mul3A_2, %mul3A_42 : i32
        %multiple_of3A_44 = tpu.assume_multiple %add3A_43, 8 : i32
        "tpu.region"() ({
          %run_scoped3A = tpu.sem_alloc : memref<!tpu.dma_semaphore, #tpu.memory_space<semaphore_mem>>
          %dma_start3A_48 = tpu.memref_slice %arg3[%multiple_of3A_44] : memref<327680xi32, #tpu.memory_space<hbm>> -> memref<128xi32, #tpu.memory_space<hbm>>
          %dma_start3A_49 = tpu.memref_slice %arg3[%multiple_of3A_44] : memref<327680xi32, #tpu.memory_space<hbm>> -> memref<128xi32, #tpu.memory_space<hbm>>
          tpu.enqueue_dma source(%dma_start3A_49 : memref<128xi32, #tpu.memory_space<hbm>>) target(%arg7 : memref<128xi32, #tpu.memory_space<vmem>>) target_semaphore(%run_scoped3A : memref<!tpu.dma_semaphore, #tpu.memory_space<semaphore_mem>>)
          %dma_wait3A_50 = tpu.memref_slice %arg3[%multiple_of3A_44] : memref<327680xi32, #tpu.memory_space<hbm>> -> memref<128xi32, #tpu.memory_space<hbm>>
          %dma_wait3A_51 = tpu.memref_slice %arg3[%multiple_of3A_44] : memref<327680xi32, #tpu.memory_space<hbm>> -> memref<128xi32, #tpu.memory_space<hbm>>
          tpu.wait_dma2 semaphore(%run_scoped3A : memref<!tpu.dma_semaphore, #tpu.memory_space<semaphore_mem>>) src(%dma_wait3A_51 : memref<128xi32, #tpu.memory_space<hbm>>) dst(%arg7 : memref<128xi32, #tpu.memory_space<vmem>>)
          tpu.yield
        }) : () -> ()
        "tpu.region"() ({
          %run_scoped3A = tpu.sem_alloc : memref<!tpu.dma_semaphore, #tpu.memory_space<semaphore_mem>>
          %dma_start3A_48 = tpu.memref_slice %arg4[%multiple_of3A_44] : memref<327680xi32, #tpu.memory_space<hbm>> -> memref<128xi32, #tpu.memory_space<hbm>>
          %dma_start3A_49 = tpu.memref_slice %arg4[%multiple_of3A_44] : memref<327680xi32, #tpu.memory_space<hbm>> -> memref<128xi32, #tpu.memory_space<hbm>>
          tpu.enqueue_dma source(%dma_start3A_49 : memref<128xi32, #tpu.memory_space<hbm>>) target(%arg8 : memref<128xi32, #tpu.memory_space<vmem>>) target_semaphore(%run_scoped3A : memref<!tpu.dma_semaphore, #tpu.memory_space<semaphore_mem>>)
          %dma_wait3A_50 = tpu.memref_slice %arg4[%multiple_of3A_44] : memref<327680xi32, #tpu.memory_space<hbm>> -> memref<128xi32, #tpu.memory_space<hbm>>
          %dma_wait3A_51 = tpu.memref_slice %arg4[%multiple_of3A_44] : memref<327680xi32, #tpu.memory_space<hbm>> -> memref<128xi32, #tpu.memory_space<hbm>>
          tpu.wait_dma2 semaphore(%run_scoped3A : memref<!tpu.dma_semaphore, #tpu.memory_space<semaphore_mem>>) src(%dma_wait3A_51 : memref<128xi32, #tpu.memory_space<hbm>>) dst(%arg8 : memref<128xi32, #tpu.memory_space<vmem>>)
          tpu.yield
        }) : () -> ()
        %dma_start3A_45 = arith.constant 0 : i32
        %dma_start3A_46 = arith.constant 0 : i32
        %dma_start3A_47 = tpu.memref_slice %arg2[%dma_start3A_45, %dma_start3A_46] : memref<10240x128xf32, #tpu.memory_space<hbm>> -> memref<10240x128xf32, #tpu.memory_space<hbm>>
        tpu.enqueue_indirect_dma source(%dma_start3A_47 : memref<10240x128xf32, #tpu.memory_space<hbm>>) target(%arg11 : memref<128x128xf32, #tpu.memory_space<vmem>>) offsets(%arg7 : memref<128xi32, #tpu.memory_space<vmem>>) semaphore(%arg14 : memref<!tpu.dma_semaphore, #tpu.memory_space<semaphore_mem>>)
      } else {
      }
      %dma_wait3A_36 = arith.constant 0 : i32
      %dma_wait3A_37 = arith.constant 0 : i32
      %dma_wait3A_38 = tpu.memref_slice %arg2[%dma_wait3A_36, %dma_wait3A_37] : memref<10240x128xf32, #tpu.memory_space<hbm>> -> memref<10240x128xf32, #tpu.memory_space<hbm>>
      tpu.wait_indirect_dma semaphore(%arg15 : memref<!tpu.dma_semaphore, #tpu.memory_space<semaphore_mem>>) src(%dma_wait3A_38 : memref<10240x128xf32, #tpu.memory_space<hbm>>) dst(%arg12 : memref<128x128xf32, #tpu.memory_space<vmem>>)
      "tpu.region"() ({
        %run_scoped3A = tpu.sem_alloc : memref<!tpu.dma_semaphore, #tpu.memory_space<semaphore_mem>>
        %dma_start3A_39 = arith.constant 0 : i32
        %dma_start3A_40 = arith.constant 0 : i32
        %dma_start3A_41 = tpu.memref_slice %arg13[%dma_start3A_39, %dma_start3A_40] : memref<10240x128xf32, #tpu.memory_space<vmem_shared>> -> memref<10240x128xf32, #tpu.memory_space<vmem_shared>>
        tpu.enqueue_indirect_dma source(%arg12 : memref<128x128xf32, #tpu.memory_space<vmem>>) target(%dma_start3A_41 : memref<10240x128xf32, #tpu.memory_space<vmem_shared>>) offsets(%arg10 : memref<128xi32, #tpu.memory_space<vmem>>) semaphore(%run_scoped3A : memref<!tpu.dma_semaphore, #tpu.memory_space<semaphore_mem>>) {add = true}
        %dma_wait3A_42 = arith.constant 0 : i32
        %dma_wait3A_43 = arith.constant 0 : i32
        %dma_wait3A_44 = tpu.memref_slice %arg13[%dma_wait3A_42, %dma_wait3A_43] : memref<10240x128xf32, #tpu.memory_space<vmem_shared>> -> memref<10240x128xf32, #tpu.memory_space<vmem_shared>>
        tpu.wait_indirect_dma semaphore(%run_scoped3A : memref<!tpu.dma_semaphore, #tpu.memory_space<semaphore_mem>>) src(%arg12 : memref<128x128xf32, #tpu.memory_space<vmem>>) dst(%dma_wait3A_44 : memref<10240x128xf32, #tpu.memory_space<vmem_shared>>)
        tpu.yield
      }) : () -> ()
    }
    %scan3A_13 = arith.constant 40 : i32
    %barrier3A_14 = arith.constant 0 : index
    tpu.barrier barrier_id(%barrier3A_14)
    %mul3A_15 = arith.constant 640 : i32
    %mul3A_16 = arith.muli %arg1, %mul3A_15 : i32
    %mul3A_17 = arith.constant 640 : i32
    %mul3A_18 = arith.muli %arg1, %mul3A_17 : i32
    "tpu.region"() ({
      %run_scoped3A = tpu.sem_alloc : memref<!tpu.dma_semaphore, #tpu.memory_space<semaphore_mem>>
      %dma_start3A_19 = arith.constant 0 : i32
      %dma_start3A_20 = tpu.memref_slice %arg6[%arg0, %mul3A_18, %dma_start3A_19] : memref<2x10240x128xf32, #tpu.memory_space<hbm>> -> memref<1x640x128xf32, #tpu.memory_space<hbm>>
      %dma_start3A_21 = tpu.memref_squeeze %dma_start3A_20 : memref<1x640x128xf32, #tpu.memory_space<hbm>> -> memref<640x128xf32, #tpu.memory_space<hbm>>
      %dma_start3A_22 = arith.constant 0 : i32
      %dma_start3A_23 = tpu.memref_slice %arg13[%mul3A_16, %dma_start3A_22] : memref<10240x128xf32, #tpu.memory_space<vmem_shared>> -> memref<640x128xf32, #tpu.memory_space<vmem_shared>>
      tpu.enqueue_dma source(%dma_start3A_23 : memref<640x128xf32, #tpu.memory_space<vmem_shared>>) target(%dma_start3A_21 : memref<640x128xf32, #tpu.memory_space<hbm>>) target_semaphore(%run_scoped3A : memref<!tpu.dma_semaphore, #tpu.memory_space<semaphore_mem>>)
      %dma_wait3A = arith.constant 0 : i32
      %dma_wait3A_24 = tpu.memref_slice %arg6[%arg0, %mul3A_18, %dma_wait3A] : memref<2x10240x128xf32, #tpu.memory_space<hbm>> -> memref<1x640x128xf32, #tpu.memory_space<hbm>>
      %dma_wait3A_25 = tpu.memref_squeeze %dma_wait3A_24 : memref<1x640x128xf32, #tpu.memory_space<hbm>> -> memref<640x128xf32, #tpu.memory_space<hbm>>
      %dma_wait3A_26 = arith.constant 0 : i32
      %dma_wait3A_27 = tpu.memref_slice %arg13[%mul3A_16, %dma_wait3A_26] : memref<10240x128xf32, #tpu.memory_space<vmem_shared>> -> memref<640x128xf32, #tpu.memory_space<vmem_shared>>
      tpu.wait_dma2 semaphore(%run_scoped3A : memref<!tpu.dma_semaphore, #tpu.memory_space<semaphore_mem>>) src(%dma_wait3A_27 : memref<640x128xf32, #tpu.memory_space<vmem_shared>>) dst(%dma_wait3A_25 : memref<640x128xf32, #tpu.memory_space<hbm>>)
      tpu.yield
    }) : () -> ()
    return
  }
}

module attributes {stable_mosaic.version = 14 : i64} {
  func.func @body(%arg0: i32, %arg1: memref<2048x128xf32, #tpu.memory_space<vmem>>, %arg2: memref<2048x1xf32, #tpu.memory_space<vmem>>, %arg3: memref<2048x1xf32, #tpu.memory_space<vmem>>, %arg4: memref<128x128xf32, #tpu.memory_space<vmem>>, %arg5: memref<1x128xf32, #tpu.memory_space<vmem>>, %arg6: memref<128x128xf32, #tpu.memory_space<vmem>>, %arg7: memref<1x128xf32, #tpu.memory_space<vmem>>, %arg8: memref<2048x128xf32, #tpu.memory_space<vmem>>, %arg9: memref<2048x128xf32, #tpu.memory_space<vmem>>, %arg10: memref<2048x1xf32, #tpu.memory_space<vmem>>) attributes {dimension_semantics = [#tpu.dimension_semantics<arbitrary>], iteration_bounds = array<i64: 5>, scalar_prefetch = 0 : i64, scratch_operands = 0 : i64, tpu.core_type = #tpu.core_type<tc>, window_params = [{transform_indices = @transform_0, window_bounds = array<i64: 2048, 128>}, {transform_indices = @transform_1, window_bounds = array<i64: 2048, 1>}, {transform_indices = @transform_2, window_bounds = array<i64: 2048, 1>}, {pipeline_mode = #tpu.pipeline_mode<synchronous>, transform_indices = @transform_3, window_bounds = array<i64: 128, 128>}, {pipeline_mode = #tpu.pipeline_mode<synchronous>, transform_indices = @transform_4, window_bounds = array<i64: 1, 128>}, {pipeline_mode = #tpu.pipeline_mode<synchronous>, transform_indices = @transform_5, window_bounds = array<i64: 128, 128>}, {pipeline_mode = #tpu.pipeline_mode<synchronous>, transform_indices = @transform_6, window_bounds = array<i64: 1, 128>}, {transform_indices = @transform_7, window_bounds = array<i64: 2048, 128>}, {transform_indices = @transform_8, window_bounds = array<i64: 2048, 128>}, {transform_indices = @transform_9, window_bounds = array<i64: 2048, 1>}]} {
    %get3A = arith.constant 0 : index
    %get3A_0 = arith.constant 0 : index
    %get3A_1 = vector.load %arg2[%get3A, %get3A_0] : memref<2048x1xf32, #tpu.memory_space<vmem>>, vector<2048x1xf32>
    %get3A_2 = arith.constant 0 : index
    %get3A_3 = arith.constant 0 : index
    %get3A_4 = vector.load %arg3[%get3A_2, %get3A_3] : memref<2048x1xf32, #tpu.memory_space<vmem>>, vector<2048x1xf32>
    %add3A = arith.addf %get3A_1, %get3A_4 : vector<2048x1xf32>
    %gt3A = arith.constant 0.000000e+00 : f32
    %gt3A_5 = vector.broadcast %gt3A : f32 to vector<2048x1xf32>
    %gt3A_6 = arith.cmpf ogt, %add3A, %gt3A_5 : vector<2048x1xf32>
    %jit3A = arith.constant 1.000000e+00 : f32
    %broadcast_in_dim3A = vector.broadcast %jit3A : f32 to vector<2048x1xf32>
    %select_n3A = arith.select %gt3A_6, %add3A, %broadcast_in_dim3A : vector<2048x1xi1>, vector<2048x1xf32>
    %rsqrt3A = math.rsqrt %select_n3A : vector<2048x1xf32>
    %jit3A_7 = arith.constant 0.000000e+00 : f32
    %broadcast_in_dim3A_8 = vector.broadcast %jit3A_7 : f32 to vector<2048x1xf32>
    %select_n3A_9 = arith.select %gt3A_6, %rsqrt3A, %broadcast_in_dim3A_8 : vector<2048x1xi1>, vector<2048x1xf32>
    %get3A_10 = arith.constant 0 : index
    %get3A_11 = arith.constant 0 : index
    %get3A_12 = vector.load %arg1[%get3A_10, %get3A_11] : memref<2048x128xf32, #tpu.memory_space<vmem>>, vector<2048x128xf32>
    %get3A_13 = arith.constant 0 : index
    %get3A_14 = arith.constant 0 : index
    %get3A_15 = vector.load %arg4[%get3A_13, %get3A_14] : memref<128x128xf32, #tpu.memory_space<vmem>>, vector<128x128xf32>
    %dot_general3A = arith.constant dense<0.000000e+00> : vector<2048x128xf32>
    %dot_general3A_16 = tpu.matmul %get3A_12, %get3A_15, %dot_general3A {dimension_numbers = #tpu.dot_dimension_numbers<[1], [0], [0], [1], [0, 0, 1, 1], [], []>, transpose_lhs_hint = false} : vector<2048x128xf32>, vector<128x128xf32>, vector<2048x128xf32> -> vector<2048x128xf32>
    %get3A_17 = arith.constant 0 : index
    %get3A_18 = arith.constant 0 : index
    %get3A_19 = vector.load %arg5[%get3A_17, %get3A_18] : memref<1x128xf32, #tpu.memory_space<vmem>>, vector<1x128xf32>
    %add3A_20 = vector.broadcast %get3A_19 : vector<1x128xf32> to vector<2048x128xf32>
    %add3A_21 = arith.addf %dot_general3A_16, %add3A_20 : vector<2048x128xf32>
    %ge3A = arith.constant 0.000000e+00 : f32
    %ge3A_22 = vector.broadcast %ge3A : f32 to vector<2048x128xf32>
    %ge3A_23 = arith.cmpf oge, %add3A_21, %ge3A_22 : vector<2048x128xf32>
    %mul3A = arith.constant 0.00999999977 : f32
    %mul3A_24 = vector.broadcast %mul3A : f32 to vector<2048x128xf32>
    %mul3A_25 = arith.mulf %mul3A_24, %add3A_21 : vector<2048x128xf32>
    %select_n3A_26 = arith.select %ge3A_23, %add3A_21, %mul3A_25 : vector<2048x128xi1>, vector<2048x128xf32>
    %get3A_27 = arith.constant 0 : index
    %get3A_28 = arith.constant 0 : index
    %get3A_29 = vector.load %arg6[%get3A_27, %get3A_28] : memref<128x128xf32, #tpu.memory_space<vmem>>, vector<128x128xf32>
    %dot_general3A_30 = arith.constant dense<0.000000e+00> : vector<2048x128xf32>
    %dot_general3A_31 = tpu.matmul %select_n3A_26, %get3A_29, %dot_general3A_30 {dimension_numbers = #tpu.dot_dimension_numbers<[1], [0], [0], [1], [0, 0, 1, 1], [], []>, transpose_lhs_hint = false} : vector<2048x128xf32>, vector<128x128xf32>, vector<2048x128xf32> -> vector<2048x128xf32>
    %get3A_32 = arith.constant 0 : index
    %get3A_33 = arith.constant 0 : index
    %get3A_34 = vector.load %arg7[%get3A_32, %get3A_33] : memref<1x128xf32, #tpu.memory_space<vmem>>, vector<1x128xf32>
    %add3A_35 = vector.broadcast %get3A_34 : vector<1x128xf32> to vector<2048x128xf32>
    %add3A_36 = arith.addf %dot_general3A_31, %add3A_35 : vector<2048x128xf32>
    %ge3A_37 = arith.constant 0.000000e+00 : f32
    %ge3A_38 = vector.broadcast %ge3A_37 : f32 to vector<2048x128xf32>
    %ge3A_39 = arith.cmpf oge, %add3A_36, %ge3A_38 : vector<2048x128xf32>
    %mul3A_40 = arith.constant 0.00999999977 : f32
    %mul3A_41 = vector.broadcast %mul3A_40 : f32 to vector<2048x128xf32>
    %mul3A_42 = arith.mulf %mul3A_41, %add3A_36 : vector<2048x128xf32>
    %select_n3A_43 = arith.select %ge3A_39, %add3A_36, %mul3A_42 : vector<2048x128xi1>, vector<2048x128xf32>
    %swap3A = arith.constant 0 : index
    %swap3A_44 = arith.constant 0 : index
    %swap3A_45 = vector.load %arg8[%swap3A, %swap3A_44] : memref<2048x128xf32, #tpu.memory_space<vmem>>, vector<2048x128xf32>
    tpu.vector_store %arg8[%swap3A, %swap3A_44], %select_n3A_43 {strides = array<i32>} : memref<2048x128xf32, #tpu.memory_space<vmem>>, vector<2048x128xf32>,
    %mul3A_46 = vector.broadcast %select_n3A_9 : vector<2048x1xf32> to vector<2048x128xf32>
    %mul3A_47 = arith.mulf %select_n3A_43, %mul3A_46 : vector<2048x128xf32>
    %swap3A_48 = arith.constant 0 : index
    %swap3A_49 = arith.constant 0 : index
    %swap3A_50 = vector.load %arg9[%swap3A_48, %swap3A_49] : memref<2048x128xf32, #tpu.memory_space<vmem>>, vector<2048x128xf32>
    tpu.vector_store %arg9[%swap3A_48, %swap3A_49], %mul3A_47 {strides = array<i32>} : memref<2048x128xf32, #tpu.memory_space<vmem>>, vector<2048x128xf32>,
    %swap3A_51 = arith.constant 0 : index
    %swap3A_52 = arith.constant 0 : index
    %swap3A_53 = vector.load %arg10[%swap3A_51, %swap3A_52] : memref<2048x1xf32, #tpu.memory_space<vmem>>, vector<2048x1xf32>
    tpu.vector_store %arg10[%swap3A_51, %swap3A_52], %select_n3A_9 {strides = array<i32>} : memref<2048x1xf32, #tpu.memory_space<vmem>>, vector<2048x1xf32>,
    return
  }
  func.func @transform_0(%arg0: i32) -> (i32, i32) {
    %c0_i32 = arith.constant 0 : i32
    %c0_i32_0 = arith.constant 0 : i32
    return %arg0, %c0_i32 : i32, i32
  }
  func.func @transform_1(%arg0: i32) -> (i32, i32) {
    %c0_i32 = arith.constant 0 : i32
    %c0_i32_0 = arith.constant 0 : i32
    return %arg0, %c0_i32 : i32, i32
  }
  func.func @transform_2(%arg0: i32) -> (i32, i32) {
    %c0_i32 = arith.constant 0 : i32
    %c0_i32_0 = arith.constant 0 : i32
    return %arg0, %c0_i32 : i32, i32
  }
  func.func @transform_3(%arg0: i32) -> (i32, i32) {
    %c0_i32 = arith.constant 0 : i32
    %c0_i32_0 = arith.constant 0 : i32
    %c0_i32_1 = arith.constant 0 : i32
    return %c0_i32, %c0_i32_0 : i32, i32
  }
  func.func @transform_4(%arg0: i32) -> (i32, i32) {
    %c0_i32 = arith.constant 0 : i32
    %c0_i32_0 = arith.constant 0 : i32
    %c0_i32_1 = arith.constant 0 : i32
    return %c0_i32, %c0_i32_0 : i32, i32
  }
  func.func @transform_5(%arg0: i32) -> (i32, i32) {
    %c0_i32 = arith.constant 0 : i32
    %c0_i32_0 = arith.constant 0 : i32
    %c0_i32_1 = arith.constant 0 : i32
    return %c0_i32, %c0_i32_0 : i32, i32
  }
  func.func @transform_6(%arg0: i32) -> (i32, i32) {
    %c0_i32 = arith.constant 0 : i32
    %c0_i32_0 = arith.constant 0 : i32
    %c0_i32_1 = arith.constant 0 : i32
    return %c0_i32, %c0_i32_0 : i32, i32
  }
  func.func @transform_7(%arg0: i32) -> (i32, i32) {
    %c0_i32 = arith.constant 0 : i32
    %c0_i32_0 = arith.constant 0 : i32
    return %arg0, %c0_i32 : i32, i32
  }
  func.func @transform_8(%arg0: i32) -> (i32, i32) {
    %c0_i32 = arith.constant 0 : i32
    %c0_i32_0 = arith.constant 0 : i32
    return %arg0, %c0_i32 : i32, i32
  }
  func.func @transform_9(%arg0: i32) -> (i32, i32) {
    %c0_i32 = arith.constant 0 : i32
    %c0_i32_0 = arith.constant 0 : i32
    return %arg0, %c0_i32 : i32, i32
  }
}

module attributes {stable_mosaic.version = 14 : i64} {
  func.func @body(%arg0: i32, %arg1: memref<2048x128xf32, #tpu.memory_space<vmem>>, %arg2: memref<2048x128xf32, #tpu.memory_space<vmem>>, %arg3: memref<2048x1xf32, #tpu.memory_space<vmem>>, %arg4: memref<2048x128xf32, #tpu.memory_space<vmem>>, %arg5: memref<2048x128xf32, #tpu.memory_space<vmem>>) attributes {dimension_semantics = [#tpu.dimension_semantics<arbitrary>], iteration_bounds = array<i64: 5>, scalar_prefetch = 0 : i64, scratch_operands = 0 : i64, tpu.core_type = #tpu.core_type<tc>, window_params = [{transform_indices = @transform_0, window_bounds = array<i64: 2048, 128>}, {transform_indices = @transform_1, window_bounds = array<i64: 2048, 128>}, {transform_indices = @transform_2, window_bounds = array<i64: 2048, 1>}, {transform_indices = @transform_3, window_bounds = array<i64: 2048, 128>}, {transform_indices = @transform_4, window_bounds = array<i64: 2048, 128>}]} {
    %get3A = arith.constant 0 : index
    %get3A_0 = arith.constant 0 : index
    %get3A_1 = vector.load %arg3[%get3A, %get3A_0] : memref<2048x1xf32, #tpu.memory_space<vmem>>, vector<2048x1xf32>
    %neg3A = arith.constant 0.000000e+00 : f32
    %neg3A_2 = vector.broadcast %neg3A : f32 to vector<2048x1xf32>
    %neg3A_3 = arith.subf %neg3A_2, %get3A_1 : vector<2048x1xf32>
    %get3A_4 = arith.constant 0 : index
    %get3A_5 = arith.constant 0 : index
    %get3A_6 = vector.load %arg1[%get3A_4, %get3A_5] : memref<2048x128xf32, #tpu.memory_space<vmem>>, vector<2048x128xf32>
    %get3A_7 = arith.constant 0 : index
    %get3A_8 = arith.constant 0 : index
    %get3A_9 = vector.load %arg2[%get3A_7, %get3A_8] : memref<2048x128xf32, #tpu.memory_space<vmem>>, vector<2048x128xf32>
    %add3A = arith.addf %get3A_6, %get3A_9 : vector<2048x128xf32>
    %mul3A = vector.broadcast %neg3A_3 : vector<2048x1xf32> to vector<2048x128xf32>
    %mul3A_10 = arith.mulf %mul3A, %add3A : vector<2048x128xf32>
    %swap3A = arith.constant 0 : index
    %swap3A_11 = arith.constant 0 : index
    %swap3A_12 = vector.load %arg4[%swap3A, %swap3A_11] : memref<2048x128xf32, #tpu.memory_space<vmem>>, vector<2048x128xf32>
    tpu.vector_store %arg4[%swap3A, %swap3A_11], %mul3A_10 {strides = array<i32>} : memref<2048x128xf32, #tpu.memory_space<vmem>>, vector<2048x128xf32>,
    %mul3A_13 = vector.broadcast %get3A_1 : vector<2048x1xf32> to vector<2048x128xf32>
    %mul3A_14 = arith.mulf %mul3A_13, %mul3A_10 : vector<2048x128xf32>
    %swap3A_15 = arith.constant 0 : index
    %swap3A_16 = arith.constant 0 : index
    %swap3A_17 = vector.load %arg5[%swap3A_15, %swap3A_16] : memref<2048x128xf32, #tpu.memory_space<vmem>>, vector<2048x128xf32>
    tpu.vector_store %arg5[%swap3A_15, %swap3A_16], %mul3A_14 {strides = array<i32>} : memref<2048x128xf32, #tpu.memory_space<vmem>>, vector<2048x128xf32>,
    return
  }
  func.func @transform_0(%arg0: i32) -> (i32, i32) {
    %c0_i32 = arith.constant 0 : i32
    %c0_i32_0 = arith.constant 0 : i32
    return %arg0, %c0_i32 : i32, i32
  }
  func.func @transform_1(%arg0: i32) -> (i32, i32) {
    %c0_i32 = arith.constant 0 : i32
    %c0_i32_0 = arith.constant 0 : i32
    return %arg0, %c0_i32 : i32, i32
  }
  func.func @transform_2(%arg0: i32) -> (i32, i32) {
    %c0_i32 = arith.constant 0 : i32
    %c0_i32_0 = arith.constant 0 : i32
    return %arg0, %c0_i32 : i32, i32
  }
  func.func @transform_3(%arg0: i32) -> (i32, i32) {
    %c0_i32 = arith.constant 0 : i32
    %c0_i32_0 = arith.constant 0 : i32
    return %arg0, %c0_i32 : i32, i32
  }
  func.func @transform_4(%arg0: i32) -> (i32, i32) {
    %c0_i32 = arith.constant 0 : i32
    %c0_i32_0 = arith.constant 0 : i32
    return %arg0, %c0_i32 : i32, i32
  }
}

module attributes {stable_mosaic.version = 14 : i64} {
  func.func @body(%arg0: i32, %arg1: memref<2048x128xf32, #tpu.memory_space<vmem>>, %arg2: memref<2048x128xf32, #tpu.memory_space<vmem>>, %arg3: memref<2048x128xf32, #tpu.memory_space<vmem>>, %arg4: memref<2048x128xf32, #tpu.memory_space<vmem>>, %arg5: memref<2048x1xf32, #tpu.memory_space<vmem>>, %arg6: memref<64x2048xf32, #tpu.memory_space<vmem>>, %arg7: memref<2048x64xf32, #tpu.memory_space<vmem>>, %arg8: memref<128x512xf32, #tpu.memory_space<vmem>>, %arg9: memref<128x512xf32, #tpu.memory_space<vmem>>, %arg10: memref<128x512xf32, #tpu.memory_space<vmem>>, %arg11: memref<1x512xf32, #tpu.memory_space<vmem>>, %arg12: memref<512x64xf32, #tpu.memory_space<vmem>>, %arg13: memref<1x64xf32, #tpu.memory_space<vmem>>, %arg14: memref<64x64xf32, #tpu.memory_space<vmem>>, %arg15: memref<1x64xf32, #tpu.memory_space<vmem>>, %arg16: memref<64x128xf32, #tpu.memory_space<vmem>>, %arg17: memref<128x64xf32, #tpu.memory_space<vmem>>, %arg18: memref<1x64xf32, #tpu.memory_space<vmem>>, %arg19: memref<64x64xf32, #tpu.memory_space<vmem>>, %arg20: memref<1x64xf32, #tpu.memory_space<vmem>>, %arg21: memref<128x64xf32, #tpu.memory_space<vmem>>, %arg22: memref<1x64xf32, #tpu.memory_space<vmem>>, %arg23: memref<64x64xf32, #tpu.memory_space<vmem>>, %arg24: memref<1x64xf32, #tpu.memory_space<vmem>>, %arg25: memref<64x2xf32, #tpu.memory_space<vmem>>, %arg26: memref<64x2xf32, #tpu.memory_space<vmem>>, %arg27: memref<1x2xf32, #tpu.memory_space<vmem>>, %arg28: memref<64x2xf32, #tpu.memory_space<vmem>>, %arg29: memref<64x64xf32, #tpu.memory_space<vmem>>) attributes {dimension_semantics = [#tpu.dimension_semantics<arbitrary>], iteration_bounds = array<i64: 5>, scalar_prefetch = 0 : i64, scratch_operands = 1 : i64, tpu.core_type = #tpu.core_type<tc>, window_params = [{transform_indices = @transform_0, window_bounds = array<i64: 2048, 128>}, {transform_indices = @transform_1, window_bounds = array<i64: 2048, 128>}, {transform_indices = @transform_2, window_bounds = array<i64: 2048, 128>}, {transform_indices = @transform_3, window_bounds = array<i64: 2048, 128>}, {transform_indices = @transform_4, window_bounds = array<i64: 2048, 1>}, {transform_indices = @transform_5, window_bounds = array<i64: 64, 2048>}, {transform_indices = @transform_6, window_bounds = array<i64: 2048, 64>}, {pipeline_mode = #tpu.pipeline_mode<synchronous>, transform_indices = @transform_7, window_bounds = array<i64: 128, 512>}, {pipeline_mode = #tpu.pipeline_mode<synchronous>, transform_indices = @transform_8, window_bounds = array<i64: 128, 512>}, {pipeline_mode = #tpu.pipeline_mode<synchronous>, transform_indices = @transform_9, window_bounds = array<i64: 128, 512>}, {pipeline_mode = #tpu.pipeline_mode<synchronous>, transform_indices = @transform_10, window_bounds = array<i64: 1, 512>}, {pipeline_mode = #tpu.pipeline_mode<synchronous>, transform_indices = @transform_11, window_bounds = array<i64: 512, 64>}, {pipeline_mode = #tpu.pipeline_mode<synchronous>, transform_indices = @transform_12, window_bounds = array<i64: 1, 64>}, {pipeline_mode = #tpu.pipeline_mode<synchronous>, transform_indices = @transform_13, window_bounds = array<i64: 64, 64>}, {pipeline_mode = #tpu.pipeline_mode<synchronous>, transform_indices = @transform_14, window_bounds = array<i64: 1, 64>}, {pipeline_mode = #tpu.pipeline_mode<synchronous>, transform_indices = @transform_15, window_bounds = array<i64: 64, 128>}, {pipeline_mode = #tpu.pipeline_mode<synchronous>, transform_indices = @transform_16, window_bounds = array<i64: 128, 64>}, {pipeline_mode = #tpu.pipeline_mode<synchronous>, transform_indices = @transform_17, window_bounds = array<i64: 1, 64>}, {pipeline_mode = #tpu.pipeline_mode<synchronous>, transform_indices = @transform_18, window_bounds = array<i64: 64, 64>}, {pipeline_mode = #tpu.pipeline_mode<synchronous>, transform_indices = @transform_19, window_bounds = array<i64: 1, 64>}, {pipeline_mode = #tpu.pipeline_mode<synchronous>, transform_indices = @transform_20, window_bounds = array<i64: 128, 64>}, {pipeline_mode = #tpu.pipeline_mode<synchronous>, transform_indices = @transform_21, window_bounds = array<i64: 1, 64>}, {pipeline_mode = #tpu.pipeline_mode<synchronous>, transform_indices = @transform_22, window_bounds = array<i64: 64, 64>}, {pipeline_mode = #tpu.pipeline_mode<synchronous>, transform_indices = @transform_23, window_bounds = array<i64: 1, 64>}, {pipeline_mode = #tpu.pipeline_mode<synchronous>, transform_indices = @transform_24, window_bounds = array<i64: 64, 2>}, {pipeline_mode = #tpu.pipeline_mode<synchronous>, transform_indices = @transform_25, window_bounds = array<i64: 64, 2>}, {pipeline_mode = #tpu.pipeline_mode<synchronous>, transform_indices = @transform_26, window_bounds = array<i64: 1, 2>}, {pipeline_mode = #tpu.pipeline_mode<synchronous>, transform_indices = @transform_27, window_bounds = array<i64: 64, 2>}]} {
    %eq3A = arith.constant 0 : i32
    %eq3A_0 = arith.cmpi eq, %arg0, %eq3A : i32
    %convert_element_type3A = arith.extui %eq3A_0 : i1 to i32
    %cond3A = arith.constant 0 : i32
    %cond3A_1 = arith.cmpi ne, %convert_element_type3A, %cond3A : i32
    scf.if %cond3A_1 {
      %broadcast_in_dim3A_142 = arith.constant 0.000000e+00 : f32
      %broadcast_in_dim3A_143 = vector.broadcast %broadcast_in_dim3A_142 : f32 to vector<64x64xf32>
      %swap3A_144 = arith.constant 0 : index
      %swap3A_145 = arith.constant 0 : index
      %swap3A_146 = vector.load %arg29[%swap3A_144, %swap3A_145] : memref<64x64xf32, #tpu.memory_space<vmem>>, vector<64x64xf32>
      tpu.vector_store %arg29[%swap3A_144, %swap3A_145], %broadcast_in_dim3A_143 {strides = array<i32>} : memref<64x64xf32, #tpu.memory_space<vmem>>, vector<64x64xf32>,
    } else {
    }
    %get3A = arith.constant 0 : index
    %get3A_2 = arith.constant 0 : index
    %get3A_3 = vector.load %arg5[%get3A, %get3A_2] : memref<2048x1xf32, #tpu.memory_space<vmem>>, vector<2048x1xf32>
    %mul3A = arith.constant -2.000000e+00 : f32
    %mul3A_4 = vector.broadcast %mul3A : f32 to vector<2048x1xf32>
    %mul3A_5 = arith.mulf %mul3A_4, %get3A_3 : vector<2048x1xf32>
    %get3A_6 = arith.constant 0 : index
    %get3A_7 = arith.constant 0 : index
    %get3A_8 = vector.load %arg3[%get3A_6, %get3A_7] : memref<2048x128xf32, #tpu.memory_space<vmem>>, vector<2048x128xf32>
    %get3A_9 = arith.constant 0 : index
    %get3A_10 = arith.constant 0 : index
    %get3A_11 = vector.load %arg4[%get3A_9, %get3A_10] : memref<2048x128xf32, #tpu.memory_space<vmem>>, vector<2048x128xf32>
    %add3A = arith.addf %get3A_8, %get3A_11 : vector<2048x128xf32>
    %mul3A_12 = vector.broadcast %mul3A_5 : vector<2048x1xf32> to vector<2048x128xf32>
    %mul3A_13 = arith.mulf %mul3A_12, %add3A : vector<2048x128xf32>
    %get3A_14 = arith.constant 0 : index
    %get3A_15 = arith.constant 0 : index
    %get3A_16 = vector.load %arg1[%get3A_14, %get3A_15] : memref<2048x128xf32, #tpu.memory_space<vmem>>, vector<2048x128xf32>
    %sub3A = arith.subf %mul3A_13, %get3A_16 : vector<2048x128xf32>
    %get3A_17 = arith.constant 0 : index
    %get3A_18 = arith.constant 0 : index
    %get3A_19 = vector.load %arg1[%get3A_17, %get3A_18] : memref<2048x128xf32, #tpu.memory_space<vmem>>, vector<2048x128xf32>
    %get3A_20 = arith.constant 0 : index
    %get3A_21 = arith.constant 0 : index
    %get3A_22 = vector.load %arg8[%get3A_20, %get3A_21] : memref<128x512xf32, #tpu.memory_space<vmem>>, vector<128x512xf32>
    %dot_general3A = arith.constant dense<0.000000e+00> : vector<2048x512xf32>
    %dot_general3A_23 = tpu.matmul %get3A_19, %get3A_22, %dot_general3A {dimension_numbers = #tpu.dot_dimension_numbers<[1], [0], [0], [1], [0, 0, 1, 1], [], []>, transpose_lhs_hint = false} : vector<2048x128xf32>, vector<128x512xf32>, vector<2048x512xf32> -> vector<2048x512xf32>
    %get3A_24 = arith.constant 0 : index
    %get3A_25 = arith.constant 0 : index
    %get3A_26 = vector.load %arg2[%get3A_24, %get3A_25] : memref<2048x128xf32, #tpu.memory_space<vmem>>, vector<2048x128xf32>
    %get3A_27 = arith.constant 0 : index
    %get3A_28 = arith.constant 0 : index
    %get3A_29 = vector.load %arg9[%get3A_27, %get3A_28] : memref<128x512xf32, #tpu.memory_space<vmem>>, vector<128x512xf32>
    %dot_general3A_30 = arith.constant dense<0.000000e+00> : vector<2048x512xf32>
    %dot_general3A_31 = tpu.matmul %get3A_26, %get3A_29, %dot_general3A_30 {dimension_numbers = #tpu.dot_dimension_numbers<[1], [0], [0], [1], [0, 0, 1, 1], [], []>, transpose_lhs_hint = false} : vector<2048x128xf32>, vector<128x512xf32>, vector<2048x512xf32> -> vector<2048x512xf32>
    %add3A_32 = arith.addf %dot_general3A_23, %dot_general3A_31 : vector<2048x512xf32>
    %get3A_33 = arith.constant 0 : index
    %get3A_34 = arith.constant 0 : index
    %get3A_35 = vector.load %arg10[%get3A_33, %get3A_34] : memref<128x512xf32, #tpu.memory_space<vmem>>, vector<128x512xf32>
    %dot_general3A_36 = arith.constant dense<0.000000e+00> : vector<2048x512xf32>
    %dot_general3A_37 = tpu.matmul %sub3A, %get3A_35, %dot_general3A_36 {dimension_numbers = #tpu.dot_dimension_numbers<[1], [0], [0], [1], [0, 0, 1, 1], [], []>, transpose_lhs_hint = false} : vector<2048x128xf32>, vector<128x512xf32>, vector<2048x512xf32> -> vector<2048x512xf32>
    %add3A_38 = arith.addf %add3A_32, %dot_general3A_37 : vector<2048x512xf32>
    %get3A_39 = arith.constant 0 : index
    %get3A_40 = arith.constant 0 : index
    %get3A_41 = vector.load %arg11[%get3A_39, %get3A_40] : memref<1x512xf32, #tpu.memory_space<vmem>>, vector<1x512xf32>
    %add3A_42 = vector.broadcast %get3A_41 : vector<1x512xf32> to vector<2048x512xf32>
    %add3A_43 = arith.addf %add3A_38, %add3A_42 : vector<2048x512xf32>
    %get3A_44 = arith.constant 0 : index
    %get3A_45 = arith.constant 0 : index
    %get3A_46 = vector.load %arg12[%get3A_44, %get3A_45] : memref<512x64xf32, #tpu.memory_space<vmem>>, vector<512x64xf32>
    %dot_general3A_47 = arith.constant dense<0.000000e+00> : vector<2048x64xf32>
    %dot_general3A_48 = tpu.matmul %add3A_43, %get3A_46, %dot_general3A_47 {dimension_numbers = #tpu.dot_dimension_numbers<[1], [0], [0], [1], [0, 0, 1, 1], [], []>, transpose_lhs_hint = false} : vector<2048x512xf32>, vector<512x64xf32>, vector<2048x64xf32> -> vector<2048x64xf32>
    %get3A_49 = arith.constant 0 : index
    %get3A_50 = arith.constant 0 : index
    %get3A_51 = vector.load %arg13[%get3A_49, %get3A_50] : memref<1x64xf32, #tpu.memory_space<vmem>>, vector<1x64xf32>
    %add3A_52 = vector.broadcast %get3A_51 : vector<1x64xf32> to vector<2048x64xf32>
    %add3A_53 = arith.addf %dot_general3A_48, %add3A_52 : vector<2048x64xf32>
    %ge3A = arith.constant 0.000000e+00 : f32
    %ge3A_54 = vector.broadcast %ge3A : f32 to vector<2048x64xf32>
    %ge3A_55 = arith.cmpf oge, %add3A_53, %ge3A_54 : vector<2048x64xf32>
    %mul3A_56 = arith.constant 0.00999999977 : f32
    %mul3A_57 = vector.broadcast %mul3A_56 : f32 to vector<2048x64xf32>
    %mul3A_58 = arith.mulf %mul3A_57, %add3A_53 : vector<2048x64xf32>
    %select_n3A = arith.select %ge3A_55, %add3A_53, %mul3A_58 : vector<2048x64xi1>, vector<2048x64xf32>
    %get3A_59 = arith.constant 0 : index
    %get3A_60 = arith.constant 0 : index
    %get3A_61 = vector.load %arg14[%get3A_59, %get3A_60] : memref<64x64xf32, #tpu.memory_space<vmem>>, vector<64x64xf32>
    %dot_general3A_62 = arith.constant dense<0.000000e+00> : vector<2048x64xf32>
    %dot_general3A_63 = tpu.matmul %select_n3A, %get3A_61, %dot_general3A_62 {dimension_numbers = #tpu.dot_dimension_numbers<[1], [0], [0], [1], [0, 0, 1, 1], [], []>, transpose_lhs_hint = false} : vector<2048x64xf32>, vector<64x64xf32>, vector<2048x64xf32> -> vector<2048x64xf32>
    %get3A_64 = arith.constant 0 : index
    %get3A_65 = arith.constant 0 : index
    %get3A_66 = vector.load %arg15[%get3A_64, %get3A_65] : memref<1x64xf32, #tpu.memory_space<vmem>>, vector<1x64xf32>
    %add3A_67 = vector.broadcast %get3A_66 : vector<1x64xf32> to vector<2048x64xf32>
    %add3A_68 = arith.addf %dot_general3A_63, %add3A_67 : vector<2048x64xf32>
    %ge3A_69 = arith.constant 0.000000e+00 : f32
    %ge3A_70 = vector.broadcast %ge3A_69 : f32 to vector<2048x64xf32>
    %ge3A_71 = arith.cmpf oge, %add3A_68, %ge3A_70 : vector<2048x64xf32>
    %mul3A_72 = arith.constant 0.00999999977 : f32
    %mul3A_73 = vector.broadcast %mul3A_72 : f32 to vector<2048x64xf32>
    %mul3A_74 = arith.mulf %mul3A_73, %add3A_68 : vector<2048x64xf32>
    %select_n3A_75 = arith.select %ge3A_71, %add3A_68, %mul3A_74 : vector<2048x64xi1>, vector<2048x64xf32>
    %get3A_76 = arith.constant 0 : index
    %get3A_77 = arith.constant 0 : index
    %get3A_78 = vector.load %arg16[%get3A_76, %get3A_77] : memref<64x128xf32, #tpu.memory_space<vmem>>, vector<64x128xf32>
    %get3A_79 = arith.constant 0 : index
    %get3A_80 = arith.constant 0 : index
    %get3A_81 = vector.load %arg17[%get3A_79, %get3A_80] : memref<128x64xf32, #tpu.memory_space<vmem>>, vector<128x64xf32>
    %dot_general3A_82 = arith.constant dense<0.000000e+00> : vector<64x64xf32>
    %dot_general3A_83 = tpu.matmul %get3A_78, %get3A_81, %dot_general3A_82 {dimension_numbers = #tpu.dot_dimension_numbers<[1], [0], [0], [1], [0, 0, 1, 1], [], []>, transpose_lhs_hint = false} : vector<64x128xf32>, vector<128x64xf32>, vector<64x64xf32> -> vector<64x64xf32>
    %get3A_84 = arith.constant 0 : index
    %get3A_85 = arith.constant 0 : index
    %get3A_86 = vector.load %arg18[%get3A_84, %get3A_85] : memref<1x64xf32, #tpu.memory_space<vmem>>, vector<1x64xf32>
    %add3A_87 = vector.broadcast %get3A_86 : vector<1x64xf32> to vector<64x64xf32>
    %add3A_88 = arith.addf %dot_general3A_83, %add3A_87 : vector<64x64xf32>
    %ge3A_89 = arith.constant 0.000000e+00 : f32
    %ge3A_90 = vector.broadcast %ge3A_89 : f32 to vector<64x64xf32>
    %ge3A_91 = arith.cmpf oge, %add3A_88, %ge3A_90 : vector<64x64xf32>
    %mul3A_92 = arith.constant 0.00999999977 : f32
    %mul3A_93 = vector.broadcast %mul3A_92 : f32 to vector<64x64xf32>
    %mul3A_94 = arith.mulf %mul3A_93, %add3A_88 : vector<64x64xf32>
    %select_n3A_95 = arith.select %ge3A_91, %add3A_88, %mul3A_94 : vector<64x64xi1>, vector<64x64xf32>
    %get3A_96 = arith.constant 0 : index
    %get3A_97 = arith.constant 0 : index
    %get3A_98 = vector.load %arg19[%get3A_96, %get3A_97] : memref<64x64xf32, #tpu.memory_space<vmem>>, vector<64x64xf32>
    %dot_general3A_99 = arith.constant dense<0.000000e+00> : vector<64x64xf32>
    %dot_general3A_100 = tpu.matmul %select_n3A_95, %get3A_98, %dot_general3A_99 {dimension_numbers = #tpu.dot_dimension_numbers<[1], [0], [0], [1], [0, 0, 1, 1], [], []>, transpose_lhs_hint = false} : vector<64x64xf32>, vector<64x64xf32>, vector<64x64xf32> -> vector<64x64xf32>
    %get3A_101 = arith.constant 0 : index
    %get3A_102 = arith.constant 0 : index
    %get3A_103 = vector.load %arg20[%get3A_101, %get3A_102] : memref<1x64xf32, #tpu.memory_space<vmem>>, vector<1x64xf32>
    %add3A_104 = vector.broadcast %get3A_103 : vector<1x64xf32> to vector<64x64xf32>
    %add3A_105 = arith.addf %dot_general3A_100, %add3A_104 : vector<64x64xf32>
    %ge3A_106 = arith.constant 0.000000e+00 : f32
    %ge3A_107 = vector.broadcast %ge3A_106 : f32 to vector<64x64xf32>
    %ge3A_108 = arith.cmpf oge, %add3A_105, %ge3A_107 : vector<64x64xf32>
    %mul3A_109 = arith.constant 0.00999999977 : f32
    %mul3A_110 = vector.broadcast %mul3A_109 : f32 to vector<64x64xf32>
    %mul3A_111 = arith.mulf %mul3A_110, %add3A_105 : vector<64x64xf32>
    %select_n3A_112 = arith.select %ge3A_108, %add3A_105, %mul3A_111 : vector<64x64xi1>, vector<64x64xf32>
    %get3A_113 = arith.constant 0 : index
    %get3A_114 = arith.constant 0 : index
    %get3A_115 = vector.load %arg7[%get3A_113, %get3A_114] : memref<2048x64xf32, #tpu.memory_space<vmem>>, vector<2048x64xf32>
    %gt3A = arith.constant 0.000000e+00 : f32
    %gt3A_116 = vector.broadcast %gt3A : f32 to vector<2048x64xf32>
    %gt3A_117 = arith.cmpf ogt, %get3A_115, %gt3A_116 : vector<2048x64xf32>
    %convert_element_type3A_118 = arith.extui %gt3A_117 : vector<2048x64xi1> to vector<2048x64xi32>
    %convert_element_type3A_119 = arith.sitofp %convert_element_type3A_118 : vector<2048x64xi32> to vector<2048x64xf32>
    %dot_general3A_120 = arith.constant dense<0.000000e+00> : vector<2048x64xf32>
    %dot_general3A_121 = tpu.matmul %convert_element_type3A_119, %select_n3A_112, %dot_general3A_120 {dimension_numbers = #tpu.dot_dimension_numbers<[1], [0], [0], [1], [0, 0, 1, 1], [], []>, transpose_lhs_hint = false} : vector<2048x64xf32>, vector<64x64xf32>, vector<2048x64xf32> -> vector<2048x64xf32>
    %mul3A_122 = arith.mulf %select_n3A_75, %dot_general3A_121 : vector<2048x64xf32>
    %reduce_sum3A = arith.constant dense<0.000000e+00> : vector<2048xf32>
    %reduce_sum3A_123 = vector.multi_reduction <add>, %mul3A_122, %reduce_sum3A [1] : vector<2048x64xf32> to vector<2048xf32>
    %broadcast_in_dim3A = vector.shape_cast %reduce_sum3A_123 : vector<2048xf32> to vector<2048x1xf32>
    %mul3A_124 = vector.broadcast %broadcast_in_dim3A : vector<2048x1xf32> to vector<2048x64xf32>
    %mul3A_125 = arith.mulf %select_n3A_75, %mul3A_124 : vector<2048x64xf32>
    %get3A_126 = arith.constant 0 : index
    %get3A_127 = arith.constant 0 : index
    %get3A_128 = vector.load %arg29[%get3A_126, %get3A_127] : memref<64x64xf32, #tpu.memory_space<vmem>>, vector<64x64xf32>
    %get3A_129 = arith.constant 0 : index
    %get3A_130 = arith.constant 0 : index
    %get3A_131 = vector.load %arg6[%get3A_129, %get3A_130] : memref<64x2048xf32, #tpu.memory_space<vmem>>, vector<64x2048xf32>
    %dot_general3A_132 = arith.constant dense<0.000000e+00> : vector<64x64xf32>
    %dot_general3A_133 = tpu.matmul %get3A_131, %mul3A_125, %dot_general3A_132 {dimension_numbers = #tpu.dot_dimension_numbers<[1], [0], [0], [1], [0, 0, 1, 1], [], []>, transpose_lhs_hint = false} : vector<64x2048xf32>, vector<2048x64xf32>, vector<64x64xf32> -> vector<64x64xf32>
    %add3A_134 = arith.addf %get3A_128, %dot_general3A_133 : vector<64x64xf32>
    %swap3A = arith.constant 0 : index
    %swap3A_135 = arith.constant 0 : index
    %swap3A_136 = vector.load %arg29[%swap3A, %swap3A_135] : memref<64x64xf32, #tpu.memory_space<vmem>>, vector<64x64xf32>
    tpu.vector_store %arg29[%swap3A, %swap3A_135], %add3A_134 {strides = array<i32>} : memref<64x64xf32, #tpu.memory_space<vmem>>, vector<64x64xf32>,
    %eq3A_137 = arith.constant 4 : i32
    %eq3A_138 = arith.cmpi eq, %arg0, %eq3A_137 : i32
    %convert_element_type3A_139 = arith.extui %eq3A_138 : i1 to i32
    %cond3A_140 = arith.constant 0 : i32
    %cond3A_141 = arith.cmpi ne, %convert_element_type3A_139, %cond3A_140 : i32
    scf.if %cond3A_141 {
      %get3A_142 = arith.constant 0 : index
      %get3A_143 = arith.constant 0 : index
      %get3A_144 = vector.load %arg16[%get3A_142, %get3A_143] : memref<64x128xf32, #tpu.memory_space<vmem>>, vector<64x128xf32>
      %get3A_145 = arith.constant 0 : index
      %get3A_146 = arith.constant 0 : index
      %get3A_147 = vector.load %arg21[%get3A_145, %get3A_146] : memref<128x64xf32, #tpu.memory_space<vmem>>, vector<128x64xf32>
      %dot_general3A_148 = arith.constant dense<0.000000e+00> : vector<64x64xf32>
      %dot_general3A_149 = tpu.matmul %get3A_144, %get3A_147, %dot_general3A_148 {dimension_numbers = #tpu.dot_dimension_numbers<[1], [0], [0], [1], [0, 0, 1, 1], [], []>, transpose_lhs_hint = false} : vector<64x128xf32>, vector<128x64xf32>, vector<64x64xf32> -> vector<64x64xf32>
      %get3A_150 = arith.constant 0 : index
      %get3A_151 = arith.constant 0 : index
      %get3A_152 = vector.load %arg22[%get3A_150, %get3A_151] : memref<1x64xf32, #tpu.memory_space<vmem>>, vector<1x64xf32>
      %add3A_153 = vector.broadcast %get3A_152 : vector<1x64xf32> to vector<64x64xf32>
      %add3A_154 = arith.addf %dot_general3A_149, %add3A_153 : vector<64x64xf32>
      %get3A_155 = arith.constant 0 : index
      %get3A_156 = arith.constant 0 : index
      %get3A_157 = vector.load %arg23[%get3A_155, %get3A_156] : memref<64x64xf32, #tpu.memory_space<vmem>>, vector<64x64xf32>
      %dot_general3A_158 = arith.constant dense<0.000000e+00> : vector<64x64xf32>
      %dot_general3A_159 = tpu.matmul %add3A_154, %get3A_157, %dot_general3A_158 {dimension_numbers = #tpu.dot_dimension_numbers<[1], [0], [0], [1], [0, 0, 1, 1], [], []>, transpose_lhs_hint = false} : vector<64x64xf32>, vector<64x64xf32>, vector<64x64xf32> -> vector<64x64xf32>
      %get3A_160 = arith.constant 0 : index
      %get3A_161 = arith.constant 0 : index
      %get3A_162 = vector.load %arg24[%get3A_160, %get3A_161] : memref<1x64xf32, #tpu.memory_space<vmem>>, vector<1x64xf32>
      %add3A_163 = vector.broadcast %get3A_162 : vector<1x64xf32> to vector<64x64xf32>
      %add3A_164 = arith.addf %dot_general3A_159, %add3A_163 : vector<64x64xf32>
      %ge3A_165 = arith.constant 0.000000e+00 : f32
      %ge3A_166 = vector.broadcast %ge3A_165 : f32 to vector<64x64xf32>
      %ge3A_167 = arith.cmpf oge, %add3A_164, %ge3A_166 : vector<64x64xf32>
      %mul3A_168 = arith.constant 0.00999999977 : f32
      %mul3A_169 = vector.broadcast %mul3A_168 : f32 to vector<64x64xf32>
      %mul3A_170 = arith.mulf %mul3A_169, %add3A_164 : vector<64x64xf32>
      %select_n3A_171 = arith.select %ge3A_167, %add3A_164, %mul3A_170 : vector<64x64xi1>, vector<64x64xf32>
      %get3A_172 = arith.constant 0 : index
      %get3A_173 = arith.constant 0 : index
      %get3A_174 = vector.load %arg29[%get3A_172, %get3A_173] : memref<64x64xf32, #tpu.memory_space<vmem>>, vector<64x64xf32>
      %get3A_175 = arith.constant 0 : index
      %get3A_176 = arith.constant 0 : index
      %get3A_177 = vector.load %arg25[%get3A_175, %get3A_176] : memref<64x2xf32, #tpu.memory_space<vmem>>, vector<64x2xf32>
      %dot_general3A_178 = arith.constant dense<0.000000e+00> : vector<64x2xf32>
      %dot_general3A_179 = tpu.matmul %get3A_174, %get3A_177, %dot_general3A_178 {dimension_numbers = #tpu.dot_dimension_numbers<[1], [0], [0], [1], [0, 0, 1, 1], [], []>, transpose_lhs_hint = false} : vector<64x64xf32>, vector<64x2xf32>, vector<64x2xf32> -> vector<64x2xf32>
      %get3A_180 = arith.constant 0 : index
      %get3A_181 = arith.constant 0 : index
      %get3A_182 = vector.load %arg26[%get3A_180, %get3A_181] : memref<64x2xf32, #tpu.memory_space<vmem>>, vector<64x2xf32>
      %dot_general3A_183 = arith.constant dense<0.000000e+00> : vector<64x2xf32>
      %dot_general3A_184 = tpu.matmul %select_n3A_171, %get3A_182, %dot_general3A_183 {dimension_numbers = #tpu.dot_dimension_numbers<[1], [0], [0], [1], [0, 0, 1, 1], [], []>, transpose_lhs_hint = false} : vector<64x64xf32>, vector<64x2xf32>, vector<64x2xf32> -> vector<64x2xf32>
      %add3A_185 = arith.addf %dot_general3A_179, %dot_general3A_184 : vector<64x2xf32>
      %get3A_186 = arith.constant 0 : index
      %get3A_187 = arith.constant 0 : index
      %get3A_188 = vector.load %arg27[%get3A_186, %get3A_187] : memref<1x2xf32, #tpu.memory_space<vmem>>, vector<1x2xf32>
      %add3A_189 = vector.broadcast %get3A_188 : vector<1x2xf32> to vector<64x2xf32>
      %add3A_190 = arith.addf %add3A_185, %add3A_189 : vector<64x2xf32>
      %swap3A_191 = arith.constant 0 : index
      %swap3A_192 = arith.constant 0 : index
      %swap3A_193 = vector.load %arg28[%swap3A_191, %swap3A_192] : memref<64x2xf32, #tpu.memory_space<vmem>>, vector<64x2xf32>
      tpu.vector_store %arg28[%swap3A_191, %swap3A_192], %add3A_190 {strides = array<i32>} : memref<64x2xf32, #tpu.memory_space<vmem>>, vector<64x2xf32>,
    } else {
    }
    return
  }
  func.func @transform_0(%arg0: i32) -> (i32, i32) {
    %c0_i32 = arith.constant 0 : i32
    %c0_i32_0 = arith.constant 0 : i32
    return %arg0, %c0_i32 : i32, i32
  }
  func.func @transform_1(%arg0: i32) -> (i32, i32) {
    %c0_i32 = arith.constant 0 : i32
    %c0_i32_0 = arith.constant 0 : i32
    return %arg0, %c0_i32 : i32, i32
  }
  func.func @transform_2(%arg0: i32) -> (i32, i32) {
    %c0_i32 = arith.constant 0 : i32
    %c0_i32_0 = arith.constant 0 : i32
    return %arg0, %c0_i32 : i32, i32
  }
  func.func @transform_3(%arg0: i32) -> (i32, i32) {
    %c0_i32 = arith.constant 0 : i32
    %c0_i32_0 = arith.constant 0 : i32
    return %arg0, %c0_i32 : i32, i32
  }
  func.func @transform_4(%arg0: i32) -> (i32, i32) {
    %c0_i32 = arith.constant 0 : i32
    %c0_i32_0 = arith.constant 0 : i32
    return %arg0, %c0_i32 : i32, i32
  }
  func.func @transform_5(%arg0: i32) -> (i32, i32) {
    %c0_i32 = arith.constant 0 : i32
    %c0_i32_0 = arith.constant 0 : i32
    return %c0_i32, %arg0 : i32, i32
  }
  func.func @transform_6(%arg0: i32) -> (i32, i32) {
    %c0_i32 = arith.constant 0 : i32
    %c0_i32_0 = arith.constant 0 : i32
    return %arg0, %c0_i32 : i32, i32
  }
  func.func @transform_7(%arg0: i32) -> (i32, i32) {
    %c0_i32 = arith.constant 0 : i32
    %c0_i32_0 = arith.constant 0 : i32
    %c0_i32_1 = arith.constant 0 : i32
    return %c0_i32, %c0_i32_0 : i32, i32
  }
  func.func @transform_8(%arg0: i32) -> (i32, i32) {
    %c0_i32 = arith.constant 0 : i32
    %c0_i32_0 = arith.constant 0 : i32
    %c0_i32_1 = arith.constant 0 : i32
    return %c0_i32, %c0_i32_0 : i32, i32
  }
  func.func @transform_9(%arg0: i32) -> (i32, i32) {
    %c0_i32 = arith.constant 0 : i32
    %c0_i32_0 = arith.constant 0 : i32
    %c0_i32_1 = arith.constant 0 : i32
    return %c0_i32, %c0_i32_0 : i32, i32
  }
  func.func @transform_10(%arg0: i32) -> (i32, i32) {
    %c0_i32 = arith.constant 0 : i32
    %c0_i32_0 = arith.constant 0 : i32
    %c0_i32_1 = arith.constant 0 : i32
    return %c0_i32, %c0_i32_0 : i32, i32
  }
  func.func @transform_11(%arg0: i32) -> (i32, i32) {
    %c0_i32 = arith.constant 0 : i32
    %c0_i32_0 = arith.constant 0 : i32
    %c0_i32_1 = arith.constant 0 : i32
    return %c0_i32, %c0_i32_0 : i32, i32
  }
  func.func @transform_12(%arg0: i32) -> (i32, i32) {
    %c0_i32 = arith.constant 0 : i32
    %c0_i32_0 = arith.constant 0 : i32
    %c0_i32_1 = arith.constant 0 : i32
    return %c0_i32, %c0_i32_0 : i32, i32
  }
  func.func @transform_13(%arg0: i32) -> (i32, i32) {
    %c0_i32 = arith.constant 0 : i32
    %c0_i32_0 = arith.constant 0 : i32
    %c0_i32_1 = arith.constant 0 : i32
    return %c0_i32, %c0_i32_0 : i32, i32
  }
  func.func @transform_14(%arg0: i32) -> (i32, i32) {
    %c0_i32 = arith.constant 0 : i32
    %c0_i32_0 = arith.constant 0 : i32
    %c0_i32_1 = arith.constant 0 : i32
    return %c0_i32, %c0_i32_0 : i32, i32
  }
  func.func @transform_15(%arg0: i32) -> (i32, i32) {
    %c0_i32 = arith.constant 0 : i32
    %c0_i32_0 = arith.constant 0 : i32
    %c0_i32_1 = arith.constant 0 : i32
    return %c0_i32, %c0_i32_0 : i32, i32
  }
  func.func @transform_16(%arg0: i32) -> (i32, i32) {
    %c0_i32 = arith.constant 0 : i32
    %c0_i32_0 = arith.constant 0 : i32
    %c0_i32_1 = arith.constant 0 : i32
    return %c0_i32, %c0_i32_0 : i32, i32
  }
  func.func @transform_17(%arg0: i32) -> (i32, i32) {
    %c0_i32 = arith.constant 0 : i32
    %c0_i32_0 = arith.constant 0 : i32
    %c0_i32_1 = arith.constant 0 : i32
    return %c0_i32, %c0_i32_0 : i32, i32
  }
  func.func @transform_18(%arg0: i32) -> (i32, i32) {
    %c0_i32 = arith.constant 0 : i32
    %c0_i32_0 = arith.constant 0 : i32
    %c0_i32_1 = arith.constant 0 : i32
    return %c0_i32, %c0_i32_0 : i32, i32
  }
  func.func @transform_19(%arg0: i32) -> (i32, i32) {
    %c0_i32 = arith.constant 0 : i32
    %c0_i32_0 = arith.constant 0 : i32
    %c0_i32_1 = arith.constant 0 : i32
    return %c0_i32, %c0_i32_0 : i32, i32
  }
  func.func @transform_20(%arg0: i32) -> (i32, i32) {
    %c0_i32 = arith.constant 0 : i32
    %c0_i32_0 = arith.constant 0 : i32
    %c0_i32_1 = arith.constant 0 : i32
    return %c0_i32, %c0_i32_0 : i32, i32
  }
  func.func @transform_21(%arg0: i32) -> (i32, i32) {
    %c0_i32 = arith.constant 0 : i32
    %c0_i32_0 = arith.constant 0 : i32
    %c0_i32_1 = arith.constant 0 : i32
    return %c0_i32, %c0_i32_0 : i32, i32
  }
  func.func @transform_22(%arg0: i32) -> (i32, i32) {
    %c0_i32 = arith.constant 0 : i32
    %c0_i32_0 = arith.constant 0 : i32
    %c0_i32_1 = arith.constant 0 : i32
    return %c0_i32, %c0_i32_0 : i32, i32
  }
  func.func @transform_23(%arg0: i32) -> (i32, i32) {
    %c0_i32 = arith.constant 0 : i32
    %c0_i32_0 = arith.constant 0 : i32
    %c0_i32_1 = arith.constant 0 : i32
    return %c0_i32, %c0_i32_0 : i32, i32
  }
  func.func @transform_24(%arg0: i32) -> (i32, i32) {
    %c0_i32 = arith.constant 0 : i32
    %c0_i32_0 = arith.constant 0 : i32
    %c0_i32_1 = arith.constant 0 : i32
    return %c0_i32, %c0_i32_0 : i32, i32
  }
  func.func @transform_25(%arg0: i32) -> (i32, i32) {
    %c0_i32 = arith.constant 0 : i32
    %c0_i32_0 = arith.constant 0 : i32
    %c0_i32_1 = arith.constant 0 : i32
    return %c0_i32, %c0_i32_0 : i32, i32
  }
  func.func @transform_26(%arg0: i32) -> (i32, i32) {
    %c0_i32 = arith.constant 0 : i32
    %c0_i32_0 = arith.constant 0 : i32
    %c0_i32_1 = arith.constant 0 : i32
    return %c0_i32, %c0_i32_0 : i32, i32
  }
  func.func @transform_27(%arg0: i32) -> (i32, i32) {
    %c0_i32 = arith.constant 0 : i32
    %c0_i32_0 = arith.constant 0 : i32
    %c0_i32_1 = arith.constant 0 : i32
    return %c0_i32, %c0_i32_0 : i32, i32
  }
}

</mosaic_0001>

<sc_bundles>
// kernel: kernel.11.cloned.1.call-start
scs
__scs_entry_jumppad:
0x0: {  	(pc) =	sbr.rel $0x88, $3  }
0x1: {  	(tag) =	ssettag $0x0;
	lr =	simm.s32 $0x1  }
0x2: {  	[smem:$0x3F89] =	sst lr;
	_ =	strace $0xD0000000  }
0x3: {  	_ = 	snop  }
0x4: {  	_ = 	snop  }
0x5: {  	_ = 	snop  }
0x6: {  	_ = 	snop  }
0x7: {  	_ = 	snop  }
__scs_overlays_trampoline_lowered:
0x8: {  	[smem:$0x3F98] =	sst s0  }
0x9: {  	[smem:$0x3F99] =	sst s1  }
0xa: {  	[smem:$0x3F9A] =	sst s2  }
0xb: {  	[smem:$0x3F9B] =	sst s3  }
0xc: {  	[smem:$0x3F9C] =	sst s4  }
0xd: {  	[smem:$0x3F9D] =	sst s5  }
0xe: {  	[smem:$0x3F9E] =	sst s6  }
0xf: {  	[smem:$0x3F9F] =	sst s7  }
0x10: {  	[smem:$0x3FA0] =	sst s8  }
0x11: {  	[smem:$0x3FA1] =	sst s9;
	s0 =	simm.s32 @!p0 $0x0  }
0x12: {  	s1 =	sld [smem:$0x3F87];
	s0 =	simm.s32 @p0 $0x1  }
0x13: {  	[smem:$0x3FA2] =	sst s0;
	s0 =	simm.s32 @!p1 $0x0  }
0x14: {  	s2 =	sld [smem:$0x3F86];
	s0 =	simm.s32 @p1 $0x1  }
0x15: {  	[smem:$0x3FA3] =	sst s0;
	s0 =	simm.s32 @!p2 $0x0  }
0x16: {  	s3 =	sld [smem:$0x3FDB];
	s0 =	simm.s32 @p2 $0x1  }
0x17: {  	s4 =	simm.s32 $0x1BF5;
	[smem:$0x3FA5] =	sst s0  }
0x18: {  	s0 =	sld [smem:$0x3F88];
	_ =	swait.ge [sflag:s4], $0x0  }
0x19: {  	s7 =	sld [smem:$0x3F89]  }
0x1a: {  	s8 =	sadd.s32 $0xFFFFE003, lr  }
0x1b: {  	s9 =	sadd.s32 $0xFFFFFEF7, lr;
	s5 =	simm.s32 $0xFFFFFFFF;
	p2 =	slt.u32 s8, $0xFFFFF086  }
0x1c: {  	p1 =	slt.u32 s9, $0xF7A;
	s5 =	simm.s32 @!p2 $0x0  }
0x1d: {  	s5 =	simm.s32 @p1 $0x1;
	p0 =	seq.s32 s7, s2  }
0x1e: {  	s7 =	smul.u32 @!p0 $0xF7A, s2;
	p2 =	seq.s32 @!p0 s5, $0x0  }
0x1f: {  	s9 =	smul.u32 $0xF7A, s1;
	s8 =	simm.s32 @!p0 $0x1BF5;
	p2 =	por !p2, p0  }
0x20: {  	[sflag:s8] =	ssyncset.s32 @!p0 $0xFFFFF086;
	s6 =	sadd.s32 @!p0 s3, s7;
	s7 =	simm.s32 @!p0 $0x108  }
0x21: {  	s3 =	sadd.s32 s3, s9;
	s6 =	sadd.s32 @!p0 $0x88, s6;
	s7 =	simm.s32 @p2 $0x1082  }
0x22: {  	[simem:s7], [sflag:s8] =	dma.local @!p0 [hbm:s6], $0xF7A  }
0x23: {  	s9 =	sor.u32 $0xD0000000, s2;
	s6 =	simm.s32 $0x108;
	_ =	swait.ge @!p0 [sflag:s8], $0x0  }
0x24: {  	s3 =	sadd.s32 $0x88, s3;
	s6 =	simm.s32 @!p1 $0x1082;
	[sflag:s4] =	ssyncset.s32 $0xFFFFF086  }
0x25: {  	[simem:s6], [sflag:s4] =	dma.local [hbm:s3], $0xF7A  }
0x26: {  	[smem:$0x3F89] =	sst s1;
	(tag) =	ssettag s2;
	_ =	strace s9  }
0x27: {  	s1 =	sld [smem:$0x3F99]  }
0x28: {  	s2 =	sld [smem:$0x3F9A]  }
0x29: {  	s4 =	sld [smem:$0x3F9C]  }
0x2a: {  	p0 =	seq.s32 s5, $0x0;
	s5 =	sld [smem:$0x3F9D]  }
0x2b: {  	s6 =	sld [smem:$0x3F9E]  }
0x2c: {  	s7 =	sld [smem:$0x3F9F]  }
0x2d: {  	s3 =	simm.s32 $0x108;
	s8 =	sld [smem:$0x3FA0]  }
0x2e: {  	s3 =	simm.s32 @!p0 $0x1082;
	s9 =	sld [smem:$0x3FA1]  }
0x2f: {  	lr =	sadd.s32 s0, s3;
	s0 =	sld [smem:$0x3F98]  }
0x30: {  	s3 =	sld [smem:$0x3F9B]  }
0x31: {  	[smem:$0x3FA4] =	sst s10  }
0x32: {  	s10 =	sld [smem:$0x3FA2];
	_ =	sdelay $0x3  }
0x33: {  	p0 =	seq.s32 s10, $0x1;
	s10 =	sld [smem:$0x3FA4];
	_ =	sdelay $0x3  }
0x34: {  	[smem:$0x3FA4] =	sst s10  }
0x35: {  	s10 =	sld [smem:$0x3FA3];
	_ =	sdelay $0x3  }
0x36: {  	p1 =	seq.s32 s10, $0x1;
	s10 =	sld [smem:$0x3FA4];
	_ =	sdelay $0x3  }
0x37: {  	[smem:$0x3FA4] =	sst s10  }
0x38: {  	s10 =	sld [smem:$0x3FA5]  }
0x39: {  	_ = 	snop;
	(pc) =	sbr.ind lr, $3  }
0x3a: {  	_ = 	snop  }
0x3b: {  	_ = 	snop  }
0x3c: {  	p2 =	seq.s32 s10, $0x1;
	s10 =	sld [smem:$0x3FA4]  }
0x3d: {  	_ =	shalt  }
0x3e: {  	_ =	shalt  }
0x3f: {  	_ =	shalt  }
0x40: {  	_ =	shalt  }
0x41: {  	_ =	shalt  }
0x42: {  	_ =	shalt  }
0x43: {  	_ =	shalt  }
0x44: {  	_ =	shalt  }
0x45: {  	_ =	shalt  }
0x46: {  	_ =	shalt  }
0x47: {  	_ =	shalt  }
0x48: {  	_ =	shalt  }
0x49: {  	_ =	shalt  }
0x4a: {  	_ =	shalt  }
0x4b: {  	_ =	shalt  }
0x4c: {  	_ =	shalt  }
0x4d: {  	_ =	shalt  }
0x4e: {  	_ =	shalt  }
0x4f: {  	_ =	shalt  }
0x50: {  	_ =	shalt  }
0x51: {  	_ =	shalt  }
0x52: {  	_ =	shalt  }
0x53: {  	_ =	shalt  }
0x54: {  	_ =	shalt  }
0x55: {  	_ =	shalt  }
0x56: {  	_ =	shalt  }
0x57: {  	_ =	shalt  }
0x58: {  	_ =	shalt  }
0x59: {  	_ =	shalt  }
0x5a: {  	_ =	shalt  }
0x5b: {  	_ =	shalt  }
0x5c: {  	_ =	shalt  }
0x5d: {  	_ =	shalt  }
0x5e: {  	_ =	shalt  }
0x5f: {  	_ =	shalt  }
0x60: {  	_ =	shalt  }
0x61: {  	_ =	shalt  }
0x62: {  	_ =	shalt  }
0x63: {  	_ =	shalt  }
0x64: {  	_ =	shalt  }
0x65: {  	_ =	shalt  }
0x66: {  	_ =	shalt  }
0x67: {  	_ =	shalt  }
0x68: {  	_ =	shalt  }
0x69: {  	_ =	shalt  }
0x6a: {  	_ =	shalt  }
0x6b: {  	_ =	shalt  }
0x6c: {  	_ =	shalt  }
0x6d: {  	_ =	shalt  }
0x6e: {  	_ =	shalt  }
0x6f: {  	_ =	shalt  }
0x70: {  	_ =	shalt  }
0x71: {  	_ =	shalt  }
0x72: {  	_ =	shalt  }
0x73: {  	_ =	shalt  }
0x74: {  	_ =	shalt  }
0x75: {  	_ =	shalt  }
0x76: {  	_ =	shalt  }
0x77: {  	_ =	shalt  }
0x78: {  	_ =	shalt  }
0x79: {  	_ =	shalt  }
0x7a: {  	_ =	shalt  }
0x7b: {  	_ =	shalt  }
0x7c: {  	_ =	shalt  }
0x7d: {  	_ =	shalt  }
0x7e: {  	_ =	shalt  }
0x7f: {  	_ =	shalt  }
0x80: {  	_ =	shalt  }
0x81: {  	_ =	shalt  }
0x82: {  	_ =	shalt  }
0x83: {  	_ =	shalt  }
0x84: {  	_ =	shalt  }
0x85: {  	_ =	shalt  }
0x86: {  	_ =	shalt  }
0x87: {  	_ =	shalt  }
.Lfunc_end0:
.L_simem_size_0:
called_computation.1_lowered:
.L_overlay_start_0:
0x88: {  	s2 =	sld [smem:$0x3FD9]  }
0x89: {  	s3 =	sld [smem:$0x3FFE];
	_ =	sdelay $0x1  }
0x8a: {  	s1 =	srdreg.scid  }
0x8b: {  	s0 =	sand.u32 $0x1, s1  }
0x8c: {  	s16 =	sshll.u32 s0, $0xA;
	s2 =	sadd.s32 s3, s2  }
0x8d: {  	s2 =	sadd.s32 s2, s16  }
0x8e: {  	[smem:$0x3FB0] =	sst s2  }
0x8f: {  	_ = 	snop  }
0x90: {  	(tm) =	ssettm $0x1  }
0x91: {  	s17 =	sld [smem:$0x3FFB];
	_ =	sdelay $0x3  }
0x92: {  	_ =	strace s17  }
0x93: {  	s2 =	sld [smem:$0x3FFC];
	_ =	sdelay $0x3  }
0x94: {  	_ =	strace s2  }
0x95: {  	s2 =	sld [smem:$0x3FFD];
	_ =	sdelay $0x3  }
0x96: {  	_ =	strace s2  }
0x97: {  	_ =	strace $0x8FFFFFFF  }
0x98: {  	s18 =	sld [smem:$0x3FDB];
	_ =	sdelay $0x1  }
0x99: {  	s19 =	simm.s32 $_scs_section_size  }
0x9a: {  	s4 =	simm.s32 $_size__tile_overlayer_lowered;
	s5 =	simm.s32 $_tile_overlayer_lowered  }
0x9b: {  	s22 =	simm.s32 $0x1BFF;
	s21 =	sshll.u32 s5, $0x1;
	s2 =	sadd.s32 s19, s18  }
0x9c: {  	s6 =	simm.s32 $0x0;
	s20 =	sshll.u32 s4, $0x1;
	s4 =	sadd.s32 s21, s2  }
0x9d: {  	[timem:s6], [sflag:s22] =	dma.local [hbm:s4], s20  }
0x9e: {  	_ =	swait.ge [sflag:s22], s20  }
0x9f: {  	s3 =	ssub.s32 $0x0, s20;
	[sflag:s22] =	ssyncset.done $0x0  }
0xa0: {  	[sflag:s22] =	ssyncadd.s32 s3;
	_ =	sdelay $0x1  }
0xa1: {  	s23 =	simm.s32 $0x1B8B  }
0xa2: {  	_ =	swait.ge [sflag:s23], $0x1  }
0xa3: {  	[sflag:s23] =	ssyncset.done $0x0  }
0xa4: {  	s25 =	simm.s32 $0x1B8E;
	s24 =	sld [smem:$0x3FFE];
	[sflag:s23] =	ssyncadd.s32 $0xFFFFFFFF  }
0xa5: {  	s26 =	simm.s32 $execute0_lowered;
	[smem:$0x3FD2] =	sst s25  }
0xa6: {  	s4 =	sshll.u32 s26, $0x1;
	_ =	strace $0x80000049;
	[dreg:$0x1] =	wrdreg $0xFFFFFFFF  }
0xa7: {  	s28 =	simm.s32 $_size_execute0_lowered;
	s2 =	sadd.s32 s2, s4;
	[dreg:$0x0] =	wrdreg $0x0  }
0xa8: {  	s4 =	sshll.u32 s28, $0x1;
	[dreg:$0x2] =	wrdreg s2  }
0xa9: {  	[dreg:$0x3] =	wrdreg s4  }
0xaa: {  	[dreg:$0x4] =	wrdreg $0xC0  }
0xab: {  	_ =	task [dreg:s6], $0x5FFFF  }
0xac: {  	[dreg:$0x1] =	wrdreg $0xFFFFFFFF  }
0xad: {  	[dreg:$0x0] =	wrdreg $0x60  }
0xae: {  	[dreg:$0x2] =	wrdreg s24  }
0xaf: {  	[dreg:$0x3] =	wrdreg $0x82000  }
0xb0: {  	[dreg:$0x4] =	wrdreg $0x9  }
0xb1: {  	_ =	task.clear_ibuf [dreg:s6], $0x5FFFF;
	_ =	strace $0x90000049  }
0xb2: {  	s29 =	simm.s32 $0x9;
	_ =	strace $0x8000004B  }
0xb3: {  	_ =	swait.ge [sflag:s29], $0x1  }
0xb4: {  	[sflag:s29] =	ssyncadd.s32 $0xFFFFFFFF  }
0xb5: {  	_ =	strace $0x9000004B  }
0xb6: {  	_ =	sfence  }
0xb7: {  	s30 =	sld [smem:$0x0];
	_ =	sdelay $0x2  }
0xb8: {  	s31 =	sshll.u32 s1, $0xD;
	s1 =	sshrl.u32 s1, $0x2  }
0xb9: {  	s3 =	sand.u32 $0x4000, s31;
	s1 =	sadd.s32 s1, s30  }
0xba: {  	s0 =	sor.u32 s3, s0;
	s1 =	sshll.u32 s1, $0x11  }
0xbb: {  	s0 =	sor.u32 s1, s0  }
0xbc: {  	s0 =	sadd.s32 $0x8F2B, s0  }
0xbd: {  	[sflag:s0] =	ssyncadd.remote.s32 $0x1  }
0xbe: {  	_ =	sfence.sel $0xFFFF  }
0xbf: {  	[dreg:$0x0] =	wrdreg $0xFFFFFFFF;
	(pc) =	sbr.abs _section_cstart, $3  }
0xc0: {  	[dreg:$0x1] =	wrdreg $0xFFFFFFFF  }
0xc1: {  	_ =	task.clear_ibuf [dreg:s6], $0x2FFFF;
	_ =	strace $0x9FFFFFFF  }
0xc2: {  	(tm) =	ssettm $0x7FFFFFFF  }
0xc3: {  	_ =	shalt  }
tec
execute0_lowered:
.L_overlay_start_1:
0x0: {  	(tag) =	ssettag $0x1  }
0x1: {  	s5 =	rddreg [dreg:$0x0]  }
0x2: {  	s2 =	rddreg [dreg:$0x1]  }
0x3: {  	s1 =	stileid.u32;
	s4 =	srdreg.scid;
	s3 =	simm.s32 $0x0  }
0x4: {  	s19 =	simm.s32 $0x80;
	s20 =	simm.s32 $0x200;
	s6 =	smul.u32 $0x14000, s1  }
0x5: {  	s7 =	sand.u32 $0x1, s4;
	[smem:$0x7FF] =	sst s3;
	s11 =	smul.u32 $0x50000, s1  }
0x6: {  	s4 =	sadd.s32 $0x23E00, s5;
	s16 =	sadd.s32 $0xFE00, s5;
	s14 =	smul.u32 $0x2800, s1  }
0x7: {  	s15 =	sadd.s32 $0x19E00, s5;
	s29 =	sshll.u32 s1, $0x6;
	s8 =	smul.u32 $0x140000, s7  }
0x8: {  	_ =	strace $0x8000004A;
	s22 =	ssub.s32 $0x2, s7;
	s10 =	sshll.u32 s7, $0x4  }
0x9: {  	s28 =	smul.u32 $0x28000, s7;
	s9 =	sshrl.u32 s6, $0x3;
	s23 =	sshrl.u32 s22, $0x1  }
0xa: {  	s24 =	sor.u32 s1, s10;
	s26 =	sshrl.u32 s11, $0x2;
	s6 =	sadd.s32 s6, s8  }
0xb: {  	s21 =	sadd.s32 s9, s5;
	s25 =	ssub.s32 s22, s23;
	s17 =	sadd.s32 s26, s2  }
0xc: {  	s31 =	sadd.s32 s14, s28;
	s22 =	simm.s32 $0x180;
	s23 =	simm.s32 $0x4200  }
0xd: {  	s26 =	simm.s32 $0x0;
	s6 =	sshrl.u32 s6, $0x3;
	s10 =	smax.u32 s25, $0x1  }
0xe: {  	s14 =	sor.u32 $0x100, s31;
	s18 =	sor.u32 $0x80, s31;
	s17 =	sshrl.u32 s17, $0x3  }
0xf: {  	s25 =	simm.s32 $0x2;
	s12 =	sadd.s32 s6, s5;
	s6 =	smul.u32 $0x2800, s24  }
0x10: {  	s5 =	sadd.s32 $0x73E00, s21;
	s14 =	sshrl.u32 s14, $0x3;
	s18 =	sshrl.u32 s18, $0x3  }
0x11: {  	s21 =	simm.s32 $0x100;
	s24 =	simm.s32 $0x1;
	s13 =	sshrl.u32 s6, $0x3  }
0x12: {  	s9 =	sadd.s32 $0x9BE00, s12;
	s6 =	sor.u32 $0x1C03, s29;
	s7 =	sadd.s32 s16, s13  }
0x13: {  	s8 =	sadd.s32 s15, s13;
	s30 =	sadd.s32 $0x4F0, s13;
	s13 =	sadd.s32 s14, s15  }
0x14: {  	s14 =	sadd.s32 s14, s16;
	s11 =	sadd.s32 s16, s30;
	s12 =	sadd.s32 s15, s30  }
0x15: {  	s15 =	sadd.s32 s18, s15;
	s16 =	sadd.s32 s18, s16;
	s18 =	simm.s32 $0x3  }
.LBB2_1:
0x16: {  	[spmem:s17], [sflag:s6] =	dma.local [hbm:s5], $0x2800  }
0x17: {  	_ =	swait.ge [sflag:s18], $0x2800  }
0x18: {  	[sflag:s18] =	ssyncset.done $0x0  }
0x19: {  	[sflag:s18] =	ssyncadd.s32 $0xFFFFD800  }
0x1a: {  	[bflag:$0x0] =	sbarrier.arrive $0xFFFF  }
0x1b: {  	[tilespmem:s3], [sflag:$0x3] =	stream.linear.gather [hbm4b:s7+s3], $0x80, $0x38;
	[tilespmem:$0x1C200] =	vst v63  }
0x1c: {  	_ =	swait.ge [sflag:s18], $0x80  }
0x1d: {  	[sflag:s18] =	ssyncset.done $0x0  }
0x1e: {  	[sflag:s18] =	ssyncadd.s32 $0xFFFFFF80  }
0x1f: {  	[tilespmem:s19], [sflag:$0x3] =	stream.linear.gather [hbm4b:s8+s3], $0x80, $0x38;
	[tilespmem:$0x1C200] =	vst v63  }
0x20: {  	_ =	swait.ge [sflag:s18], $0x80  }
0x21: {  	[sflag:s18] =	ssyncset.done $0x0  }
0x22: {  	[sflag:s18] =	ssyncadd.s32 $0xFFFFFF80  }
0x23: {  	[tilespmem:s20], [sflag:$0x1] =	stream.indirect.gather [hbm4b:s4+s19], $0x80, s3, s19, $0xb8;
	[tilespmem:$0x1C200] =	vst v63  }
0x24: {  	s28 =	sadd.s32 $0x0, s16  }
0x25: {  	[tilespmem:s21], [sflag:$0x3] =	stream.linear.gather [hbm4b:s28+s3], $0x80, $0x38;
	[tilespmem:$0x1C200] =	vst v63  }
0x26: {  	_ =	swait.ge [sflag:s18], $0x80  }
0x27: {  	[sflag:s18] =	ssyncset.done $0x0  }
0x28: {  	s28 =	sadd.s32 $0x0, s15;
	[sflag:s18] =	ssyncadd.s32 $0xFFFFFF80  }
0x29: {  	[tilespmem:s22], [sflag:$0x3] =	stream.linear.gather [hbm4b:s28+s3], $0x80, $0x38;
	[tilespmem:$0x1C200] =	vst v63  }
0x2a: {  	_ =	swait.ge [sflag:s18], $0x80  }
0x2b: {  	[sflag:s18] =	ssyncset.done $0x0  }
0x2c: {  	[sflag:s18] =	ssyncadd.s32 $0xFFFFFF80  }
0x2d: {  	[tilespmem:s23], [sflag:$0x2] =	stream.indirect.gather [hbm4b:s4+s19], $0x80, s21, s19, $0xb8;
	[tilespmem:$0x1C200] =	vst v63  }
0x2e: {  	_ =	swait.ge [sflag:s24], $0x4000  }
0x2f: {  	[sflag:s24] =	ssyncset.done $0x0  }
0x30: {  	[sflag:s24] =	ssyncadd.s32 $0xFFFFC000  }
0x31: {  	[spmem:s2] =	stream.indirect.scatter.add.f32 [tilespmem:s20], [sflag:$0x3], $0x80, s19, s19, $0xb8;
	[tilespmem:$0x1C200] =	vst v63  }
0x32: {  	_ =	swait.ge [sflag:s18], $0x4000  }
0x33: {  	[sflag:s18] =	ssyncset.done $0x0  }
0x34: {  	s28 =	sadd.s32 $0x0, s14;
	[sflag:s18] =	ssyncadd.s32 $0xFFFFC000  }
0x35: {  	[tilespmem:s3], [sflag:$0x3] =	stream.linear.gather [hbm4b:s28+s3], $0x80, $0x38;
	[tilespmem:$0x1C200] =	vst v63  }
0x36: {  	_ =	swait.ge [sflag:s18], $0x80  }
0x37: {  	[sflag:s18] =	ssyncset.done $0x0  }
0x38: {  	s28 =	sadd.s32 $0x0, s13;
	[sflag:s18] =	ssyncadd.s32 $0xFFFFFF80  }
0x39: {  	[tilespmem:s19], [sflag:$0x3] =	stream.linear.gather [hbm4b:s28+s3], $0x80, $0x38;
	[tilespmem:$0x1C200] =	vst v63  }
0x3a: {  	_ =	swait.ge [sflag:s18], $0x80  }
0x3b: {  	[sflag:s18] =	ssyncset.done $0x0  }
0x3c: {  	[sflag:s18] =	ssyncadd.s32 $0xFFFFFF80  }
0x3d: {  	[tilespmem:s20], [sflag:$0x1] =	stream.indirect.gather [hbm4b:s4+s19], $0x80, s3, s19, $0xb8;
	[tilespmem:$0x1C200] =	vst v63  }
0x3e: {  	_ =	swait.ge [sflag:s25], $0x4000  }
0x3f: {  	[sflag:s25] =	ssyncset.done $0x0  }
0x40: {  	[sflag:s25] =	ssyncadd.s32 $0xFFFFC000  }
0x41: {  	[spmem:s2] =	stream.indirect.scatter.add.f32 [tilespmem:s23], [sflag:$0x3], $0x80, s22, s19, $0xb8;
	[tilespmem:$0x1C200] =	vst v63  }
0x42: {  	_ =	swait.ge [sflag:s18], $0x4000  }
0x43: {  	s30 =	simm.s32 $0x40;
	s28 =	simm.s32 $0x20;
	[sflag:s18] =	ssyncset.done $0x0  }
.LBB2_2:
0x44: {  	s31 =	sadd.s32 s28, s16  }
0x45: {  	[sflag:s18] =	ssyncadd.s32 $0xFFFFC000;
	s0 =	smov.u32 s30;
	s29 =	sadd.s32 $0x20, s30  }
0x46: {  	[tilespmem:s21], [sflag:$0x3] =	stream.linear.gather [hbm4b:s31+s3], $0x80, $0x38;
	[tilespmem:$0x1C200] =	vst v63  }
0x47: {  	p0 =	sne.s32 s30, $0x4C0;
	_ =	swait.ge [sflag:s18], $0x80  }
0x48: {  	[sflag:s18] =	ssyncset.done $0x0  }
0x49: {  	s30 =	sadd.s32 s28, s15;
	[sflag:s18] =	ssyncadd.s32 $0xFFFFFF80  }
0x4a: {  	[tilespmem:s22], [sflag:$0x3] =	stream.linear.gather [hbm4b:s30+s3], $0x80, $0x38;
	[tilespmem:$0x1C200] =	vst v63  }
0x4b: {  	_ =	swait.ge [sflag:s18], $0x80  }
0x4c: {  	[sflag:s18] =	ssyncset.done $0x0  }
0x4d: {  	[sflag:s18] =	ssyncadd.s32 $0xFFFFFF80  }
0x4e: {  	[tilespmem:s23], [sflag:$0x2] =	stream.indirect.gather [hbm4b:s4+s19], $0x80, s21, s19, $0xb8;
	[tilespmem:$0x1C200] =	vst v63  }
0x4f: {  	_ =	swait.ge [sflag:s24], $0x4000  }
0x50: {  	[sflag:s24] =	ssyncset.done $0x0  }
0x51: {  	[sflag:s24] =	ssyncadd.s32 $0xFFFFC000  }
0x52: {  	[spmem:s2] =	stream.indirect.scatter.add.f32 [tilespmem:s20], [sflag:$0x3], $0x80, s19, s19, $0xb8;
	[tilespmem:$0x1C200] =	vst v63  }
0x53: {  	_ =	swait.ge [sflag:s18], $0x4000  }
0x54: {  	[sflag:s18] =	ssyncset.done $0x0  }
0x55: {  	s30 =	sadd.s32 s28, s14;
	[sflag:s18] =	ssyncadd.s32 $0xFFFFC000  }
0x56: {  	[tilespmem:s3], [sflag:$0x3] =	stream.linear.gather [hbm4b:s30+s3], $0x80, $0x38;
	[tilespmem:$0x1C200] =	vst v63  }
0x57: {  	_ =	swait.ge [sflag:s18], $0x80  }
0x58: {  	[sflag:s18] =	ssyncset.done $0x0  }
0x59: {  	s30 =	sadd.s32 s28, s13;
	s28 =	smov.u32 s0;
	[sflag:s18] =	ssyncadd.s32 $0xFFFFFF80  }
0x5a: {  	[tilespmem:s19], [sflag:$0x3] =	stream.linear.gather [hbm4b:s30+s3], $0x80, $0x38;
	[tilespmem:$0x1C200] =	vst v63  }
0x5b: {  	_ =	swait.ge [sflag:s18], $0x80  }
0x5c: {  	[sflag:s18] =	ssyncset.done $0x0  }
0x5d: {  	[sflag:s18] =	ssyncadd.s32 $0xFFFFFF80  }
0x5e: {  	[tilespmem:s20], [sflag:$0x1] =	stream.indirect.gather [hbm4b:s4+s19], $0x80, s3, s19, $0xb8;
	[tilespmem:$0x1C200] =	vst v63  }
0x5f: {  	_ =	swait.ge [sflag:s25], $0x4000  }
.Ltmp0:
0x60: {  	[sflag:s25] =	ssyncset.done $0x0;
	(pc) =	sbr.rel @p0 .LBB2_2-.Ltmp0, $4  }
0x61: {  	[sflag:s25] =	ssyncadd.s32 $0xFFFFC000  }
0x62: {  	[spmem:s2] =	stream.indirect.scatter.add.f32 [tilespmem:s23], [sflag:$0x3], $0x80, s22, s19, $0xb8;
	[tilespmem:$0x1C200] =	vst v63  }
0x63: {  	_ =	swait.ge [sflag:s18], $0x4000  }
0x64: {  	s30 =	smov.u32 s29;
	[sflag:s18] =	ssyncset.done $0x0  }
0x65: {  	s0 =	sadd.s32 s28, s16;
	[sflag:s18] =	ssyncadd.s32 $0xFFFFC000  }
0x66: {  	[tilespmem:s21], [sflag:$0x3] =	stream.linear.gather [hbm4b:s0+s3], $0x80, $0x38;
	[tilespmem:$0x1C200] =	vst v63  }
0x67: {  	_ =	swait.ge [sflag:s18], $0x80  }
0x68: {  	[sflag:s18] =	ssyncset.done $0x0  }
0x69: {  	s29 =	sadd.s32 s28, s15;
	[sflag:s18] =	ssyncadd.s32 $0xFFFFFF80  }
0x6a: {  	[tilespmem:s22], [sflag:$0x3] =	stream.linear.gather [hbm4b:s29+s3], $0x80, $0x38;
	[tilespmem:$0x1C200] =	vst v63  }
0x6b: {  	_ =	swait.ge [sflag:s18], $0x80  }
0x6c: {  	[sflag:s18] =	ssyncset.done $0x0  }
0x6d: {  	[sflag:s18] =	ssyncadd.s32 $0xFFFFFF80  }
0x6e: {  	[tilespmem:s23], [sflag:$0x2] =	stream.indirect.gather [hbm4b:s4+s19], $0x80, s21, s19, $0xb8;
	[tilespmem:$0x1C200] =	vst v63  }
0x6f: {  	_ =	swait.ge [sflag:s24], $0x4000  }
0x70: {  	[sflag:s24] =	ssyncset.done $0x0  }
0x71: {  	[sflag:s24] =	ssyncadd.s32 $0xFFFFC000  }
0x72: {  	[spmem:s2] =	stream.indirect.scatter.add.f32 [tilespmem:s20], [sflag:$0x3], $0x80, s19, s19, $0xb8;
	[tilespmem:$0x1C200] =	vst v63  }
0x73: {  	_ =	swait.ge [sflag:s18], $0x4000  }
0x74: {  	[sflag:s18] =	ssyncset.done $0x0  }
0x75: {  	s30 =	sadd.s32 s28, s14;
	[sflag:s18] =	ssyncadd.s32 $0xFFFFC000  }
0x76: {  	[tilespmem:s3], [sflag:$0x3] =	stream.linear.gather [hbm4b:s30+s3], $0x80, $0x38;
	[tilespmem:$0x1C200] =	vst v63  }
0x77: {  	_ =	swait.ge [sflag:s18], $0x80  }
0x78: {  	[sflag:s18] =	ssyncset.done $0x0  }
0x79: {  	s31 =	sadd.s32 s28, s13;
	[sflag:s18] =	ssyncadd.s32 $0xFFFFFF80  }
0x7a: {  	[tilespmem:s19], [sflag:$0x3] =	stream.linear.gather [hbm4b:s31+s3], $0x80, $0x38;
	[tilespmem:$0x1C200] =	vst v63  }
0x7b: {  	_ =	swait.ge [sflag:s18], $0x80  }
0x7c: {  	[sflag:s18] =	ssyncset.done $0x0  }
0x7d: {  	[sflag:s18] =	ssyncadd.s32 $0xFFFFFF80  }
0x7e: {  	[tilespmem:s20], [sflag:$0x1] =	stream.indirect.gather [hbm4b:s4+s19], $0x80, s3, s19, $0xb8;
	[tilespmem:$0x1C200] =	vst v63  }
0x7f: {  	_ =	swait.ge [sflag:s25], $0x4000  }
0x80: {  	[sflag:s25] =	ssyncset.done $0x0  }
0x81: {  	[sflag:s25] =	ssyncadd.s32 $0xFFFFC000  }
0x82: {  	[spmem:s2] =	stream.indirect.scatter.add.f32 [tilespmem:s23], [sflag:$0x3], $0x80, s22, s19, $0xb8;
	[tilespmem:$0x1C200] =	vst v63  }
0x83: {  	_ =	swait.ge [sflag:s18], $0x4000  }
0x84: {  	[sflag:s18] =	ssyncset.done $0x0  }
0x85: {  	[sflag:s18] =	ssyncadd.s32 $0xFFFFC000  }
0x86: {  	[tilespmem:s21], [sflag:$0x3] =	stream.linear.gather [hbm4b:s11+s3], $0x80, $0x38;
	[tilespmem:$0x1C200] =	vst v63  }
0x87: {  	_ =	swait.ge [sflag:s18], $0x80  }
0x88: {  	[sflag:s18] =	ssyncset.done $0x0  }
0x89: {  	[sflag:s18] =	ssyncadd.s32 $0xFFFFFF80  }
0x8a: {  	[tilespmem:s22], [sflag:$0x3] =	stream.linear.gather [hbm4b:s12+s3], $0x80, $0x38;
	[tilespmem:$0x1C200] =	vst v63  }
0x8b: {  	_ =	swait.ge [sflag:s18], $0x80  }
0x8c: {  	[sflag:s18] =	ssyncset.done $0x0  }
0x8d: {  	[sflag:s18] =	ssyncadd.s32 $0xFFFFFF80  }
0x8e: {  	[tilespmem:s23], [sflag:$0x2] =	stream.indirect.gather [hbm4b:s4+s19], $0x80, s21, s19, $0xb8;
	[tilespmem:$0x1C200] =	vst v63  }
0x8f: {  	_ =	swait.ge [sflag:s24], $0x4000  }
0x90: {  	[sflag:s24] =	ssyncset.done $0x0  }
0x91: {  	[sflag:s24] =	ssyncadd.s32 $0xFFFFC000  }
0x92: {  	[spmem:s2] =	stream.indirect.scatter.add.f32 [tilespmem:s20], [sflag:$0x3], $0x80, s19, s19, $0xb8;
	[tilespmem:$0x1C200] =	vst v63  }
0x93: {  	_ =	swait.ge [sflag:s18], $0x4000  }
0x94: {  	[sflag:s18] =	ssyncset.done $0x0  }
0x95: {  	[sflag:s18] =	ssyncadd.s32 $0xFFFFC000  }
0x96: {  	_ =	swait.ge [sflag:s25], $0x4000  }
0x97: {  	[sflag:s25] =	ssyncset.done $0x0  }
0x98: {  	[sflag:s25] =	ssyncadd.s32 $0xFFFFC000  }
0x99: {  	[spmem:s2] =	stream.indirect.scatter.add.f32 [tilespmem:s23], [sflag:$0x3], $0x80, s22, s19, $0xb8;
	[tilespmem:$0x1C200] =	vst v63  }
0x9a: {  	_ =	swait.ge [sflag:s18], $0x4000  }
0x9b: {  	s26 =	sadd.s32 $0x1, s26;
	[sflag:s18] =	ssyncset.done $0x0  }
0x9c: {  	p0 =	sne.s32 s26, s10;
	[sflag:s18] =	ssyncadd.s32 $0xFFFFC000  }
.Ltmp1:
0x9d: {  	[bflag:$0x0] =	sbarrier.arrive $0xFFFF;
	(pc) =	sbr.rel @p0 .LBB2_1-.Ltmp1, $4  }
0x9e: {  	[hbm:s9], [sflag:s6] =	dma.local [spmem:s17], $0x2800  }
0x9f: {  	_ =	swait.ge [sflag:s18], $0x2800  }
0xa0: {  	[sflag:s18] =	ssyncset.done $0x0  }
0xa1: {  	[sflag:s18] =	ssyncadd.s32 $0xFFFFD800  }
0xa2: {  	_ =	sfence.sel $0x180000  }
0xa3: {  	[bflag:$0x0] =	sbarrier.arrive $0xFFFF  }
0xa4: {  	_ =	strace $0x9000004A  }
0xa5: {  	[bflag:$0x2] =	sbarrier.arrive $0xFFFF  }
0xa6: {  	p0 =	sne.s32 s1, $0x0;
	s0 =	rddreg [dreg:$0x2]  }
0xa7: {  	s0 =	sadd.s32 @!p0 $0x100000, s0  }
0xa8: {  	[sflag:s0] =	ssyncadd.tile.s32 @!p0 $0x1;
	_ =	shalt  }
.Lfunc_end2:
_tile_overlayer_lowered:
.L_overlay_start_2:
0xa9: {  	(tag) =	ssettag $0x2  }
0xaa: {  	s0 =	rddreg [dreg:$0x0];
	s2 =	stileid.u32  }
0xab: {  	s1 =	rddreg [dreg:$0x1];
	p0 =	sne.s32 s2, $0x0  }
0xac: {  	s3 =	rddreg [dreg:$0x2];
	[bflag:$0x3] =	sbarrier.arrive $0xFFFF;
	s2 =	simm.s32 @!p0 $0x1C03  }
0xad: {  	[timem:s3], [sflag:s2] =	dma.local @!p0 [hbm:s0], s1  }
0xae: {  	s0 =	simm.s32 @!p0 $0x3  }
0xaf: {  	_ =	swait.ge @!p0 [sflag:s0], s1  }
0xb0: {  	s1 =	ssub.s32 @!p0 $0x0, s1;
	[sflag:s0] =	ssyncset.done @!p0 $0x0  }
0xb1: {  	[sflag:s0] =	ssyncadd.s32 @!p0 s1  }
0xb2: {  	[bflag:$0x3] =	sbarrier.arrive $0xFFFF  }
0xb3: {  	_ =	shalt  }

// kernel: kernel.14.cloned.1.call-start
scs
__scs_entry_jumppad:
0x0: {  	(pc) =	sbr.rel $0x88, $3  }
0x1: {  	(tag) =	ssettag $0x0;
	lr =	simm.s32 $0x1  }
0x2: {  	[smem:$0x3F89] =	sst lr;
	_ =	strace $0xD0000000  }
0x3: {  	_ = 	snop  }
0x4: {  	_ = 	snop  }
0x5: {  	_ = 	snop  }
0x6: {  	_ = 	snop  }
0x7: {  	_ = 	snop  }
__scs_overlays_trampoline_lowered:
0x8: {  	[smem:$0x3F98] =	sst s0  }
0x9: {  	[smem:$0x3F99] =	sst s1  }
0xa: {  	[smem:$0x3F9A] =	sst s2  }
0xb: {  	[smem:$0x3F9B] =	sst s3  }
0xc: {  	[smem:$0x3F9C] =	sst s4  }
0xd: {  	[smem:$0x3F9D] =	sst s5  }
0xe: {  	[smem:$0x3F9E] =	sst s6  }
0xf: {  	[smem:$0x3F9F] =	sst s7  }
0x10: {  	[smem:$0x3FA0] =	sst s8  }
0x11: {  	[smem:$0x3FA1] =	sst s9;
	s0 =	simm.s32 @!p0 $0x0  }
0x12: {  	s1 =	sld [smem:$0x3F87];
	s0 =	simm.s32 @p0 $0x1  }
0x13: {  	[smem:$0x3FA2] =	sst s0;
	s0 =	simm.s32 @!p1 $0x0  }
0x14: {  	s2 =	sld [smem:$0x3F86];
	s0 =	simm.s32 @p1 $0x1  }
0x15: {  	[smem:$0x3FA3] =	sst s0;
	s0 =	simm.s32 @!p2 $0x0  }
0x16: {  	s3 =	sld [smem:$0x3FDB];
	s0 =	simm.s32 @p2 $0x1  }
0x17: {  	s4 =	simm.s32 $0x1BF5;
	[smem:$0x3FA5] =	sst s0  }
0x18: {  	s0 =	sld [smem:$0x3F88];
	_ =	swait.ge [sflag:s4], $0x0  }
0x19: {  	s7 =	sld [smem:$0x3F89]  }
0x1a: {  	s8 =	sadd.s32 $0xFFFFE003, lr  }
0x1b: {  	s9 =	sadd.s32 $0xFFFFFEF7, lr;
	s5 =	simm.s32 $0xFFFFFFFF;
	p2 =	slt.u32 s8, $0xFFFFF086  }
0x1c: {  	p1 =	slt.u32 s9, $0xF7A;
	s5 =	simm.s32 @!p2 $0x0  }
0x1d: {  	s5 =	simm.s32 @p1 $0x1;
	p0 =	seq.s32 s7, s2  }
0x1e: {  	s7 =	smul.u32 @!p0 $0xF7A, s2;
	p2 =	seq.s32 @!p0 s5, $0x0  }
0x1f: {  	s9 =	smul.u32 $0xF7A, s1;
	s8 =	simm.s32 @!p0 $0x1BF5;
	p2 =	por !p2, p0  }
0x20: {  	[sflag:s8] =	ssyncset.s32 @!p0 $0xFFFFF086;
	s6 =	sadd.s32 @!p0 s3, s7;
	s7 =	simm.s32 @!p0 $0x108  }
0x21: {  	s3 =	sadd.s32 s3, s9;
	s6 =	sadd.s32 @!p0 $0x88, s6;
	s7 =	simm.s32 @p2 $0x1082  }
0x22: {  	[simem:s7], [sflag:s8] =	dma.local @!p0 [hbm:s6], $0xF7A  }
0x23: {  	s9 =	sor.u32 $0xD0000000, s2;
	s6 =	simm.s32 $0x108;
	_ =	swait.ge @!p0 [sflag:s8], $0x0  }
0x24: {  	s3 =	sadd.s32 $0x88, s3;
	s6 =	simm.s32 @!p1 $0x1082;
	[sflag:s4] =	ssyncset.s32 $0xFFFFF086  }
0x25: {  	[simem:s6], [sflag:s4] =	dma.local [hbm:s3], $0xF7A  }
0x26: {  	[smem:$0x3F89] =	sst s1;
	(tag) =	ssettag s2;
	_ =	strace s9  }
0x27: {  	s1 =	sld [smem:$0x3F99]  }
0x28: {  	s2 =	sld [smem:$0x3F9A]  }
0x29: {  	s4 =	sld [smem:$0x3F9C]  }
0x2a: {  	p0 =	seq.s32 s5, $0x0;
	s5 =	sld [smem:$0x3F9D]  }
0x2b: {  	s6 =	sld [smem:$0x3F9E]  }
0x2c: {  	s7 =	sld [smem:$0x3F9F]  }
0x2d: {  	s3 =	simm.s32 $0x108;
	s8 =	sld [smem:$0x3FA0]  }
0x2e: {  	s3 =	simm.s32 @!p0 $0x1082;
	s9 =	sld [smem:$0x3FA1]  }
0x2f: {  	lr =	sadd.s32 s0, s3;
	s0 =	sld [smem:$0x3F98]  }
0x30: {  	s3 =	sld [smem:$0x3F9B]  }
0x31: {  	[smem:$0x3FA4] =	sst s10  }
0x32: {  	s10 =	sld [smem:$0x3FA2];
	_ =	sdelay $0x3  }
0x33: {  	p0 =	seq.s32 s10, $0x1;
	s10 =	sld [smem:$0x3FA4];
	_ =	sdelay $0x3  }
0x34: {  	[smem:$0x3FA4] =	sst s10  }
0x35: {  	s10 =	sld [smem:$0x3FA3];
	_ =	sdelay $0x3  }
0x36: {  	p1 =	seq.s32 s10, $0x1;
	s10 =	sld [smem:$0x3FA4];
	_ =	sdelay $0x3  }
0x37: {  	[smem:$0x3FA4] =	sst s10  }
0x38: {  	s10 =	sld [smem:$0x3FA5]  }
0x39: {  	_ = 	snop;
	(pc) =	sbr.ind lr, $3  }
0x3a: {  	_ = 	snop  }
0x3b: {  	_ = 	snop  }
0x3c: {  	p2 =	seq.s32 s10, $0x1;
	s10 =	sld [smem:$0x3FA4]  }
0x3d: {  	_ =	shalt  }
0x3e: {  	_ =	shalt  }
0x3f: {  	_ =	shalt  }
0x40: {  	_ =	shalt  }
0x41: {  	_ =	shalt  }
0x42: {  	_ =	shalt  }
0x43: {  	_ =	shalt  }
0x44: {  	_ =	shalt  }
0x45: {  	_ =	shalt  }
0x46: {  	_ =	shalt  }
0x47: {  	_ =	shalt  }
0x48: {  	_ =	shalt  }
0x49: {  	_ =	shalt  }
0x4a: {  	_ =	shalt  }
0x4b: {  	_ =	shalt  }
0x4c: {  	_ =	shalt  }
0x4d: {  	_ =	shalt  }
0x4e: {  	_ =	shalt  }
0x4f: {  	_ =	shalt  }
0x50: {  	_ =	shalt  }
0x51: {  	_ =	shalt  }
0x52: {  	_ =	shalt  }
0x53: {  	_ =	shalt  }
0x54: {  	_ =	shalt  }
0x55: {  	_ =	shalt  }
0x56: {  	_ =	shalt  }
0x57: {  	_ =	shalt  }
0x58: {  	_ =	shalt  }
0x59: {  	_ =	shalt  }
0x5a: {  	_ =	shalt  }
0x5b: {  	_ =	shalt  }
0x5c: {  	_ =	shalt  }
0x5d: {  	_ =	shalt  }
0x5e: {  	_ =	shalt  }
0x5f: {  	_ =	shalt  }
0x60: {  	_ =	shalt  }
0x61: {  	_ =	shalt  }
0x62: {  	_ =	shalt  }
0x63: {  	_ =	shalt  }
0x64: {  	_ =	shalt  }
0x65: {  	_ =	shalt  }
0x66: {  	_ =	shalt  }
0x67: {  	_ =	shalt  }
0x68: {  	_ =	shalt  }
0x69: {  	_ =	shalt  }
0x6a: {  	_ =	shalt  }
0x6b: {  	_ =	shalt  }
0x6c: {  	_ =	shalt  }
0x6d: {  	_ =	shalt  }
0x6e: {  	_ =	shalt  }
0x6f: {  	_ =	shalt  }
0x70: {  	_ =	shalt  }
0x71: {  	_ =	shalt  }
0x72: {  	_ =	shalt  }
0x73: {  	_ =	shalt  }
0x74: {  	_ =	shalt  }
0x75: {  	_ =	shalt  }
0x76: {  	_ =	shalt  }
0x77: {  	_ =	shalt  }
0x78: {  	_ =	shalt  }
0x79: {  	_ =	shalt  }
0x7a: {  	_ =	shalt  }
0x7b: {  	_ =	shalt  }
0x7c: {  	_ =	shalt  }
0x7d: {  	_ =	shalt  }
0x7e: {  	_ =	shalt  }
0x7f: {  	_ =	shalt  }
0x80: {  	_ =	shalt  }
0x81: {  	_ =	shalt  }
0x82: {  	_ =	shalt  }
0x83: {  	_ =	shalt  }
0x84: {  	_ =	shalt  }
0x85: {  	_ =	shalt  }
0x86: {  	_ =	shalt  }
0x87: {  	_ =	shalt  }
.Lfunc_end0:
.L_simem_size_0:
called_computation.2_lowered:
.L_overlay_start_0:
0x88: {  	s2 =	sld [smem:$0x3FD9]  }
0x89: {  	s3 =	sld [smem:$0x3FFE];
	_ =	sdelay $0x1  }
0x8a: {  	s1 =	srdreg.scid  }
0x8b: {  	s0 =	sand.u32 $0x1, s1  }
0x8c: {  	s16 =	sshll.u32 s0, $0xA;
	s2 =	sadd.s32 s3, s2  }
0x8d: {  	s2 =	sadd.s32 s2, s16  }
0x8e: {  	[smem:$0x3FB0] =	sst s2  }
0x8f: {  	_ = 	snop  }
0x90: {  	(tm) =	ssettm $0x1  }
0x91: {  	s17 =	sld [smem:$0x3FFB];
	_ =	sdelay $0x3  }
0x92: {  	_ =	strace s17  }
0x93: {  	s2 =	sld [smem:$0x3FFC];
	_ =	sdelay $0x3  }
0x94: {  	_ =	strace s2  }
0x95: {  	s2 =	sld [smem:$0x3FFD];
	_ =	sdelay $0x3  }
0x96: {  	_ =	strace s2  }
0x97: {  	_ =	strace $0x8FFFFFFF  }
0x98: {  	s18 =	sld [smem:$0x3FDB];
	_ =	sdelay $0x1  }
0x99: {  	s19 =	simm.s32 $_scs_section_size  }
0x9a: {  	s4 =	simm.s32 $_size__tile_overlayer_lowered;
	s5 =	simm.s32 $_tile_overlayer_lowered  }
0x9b: {  	s22 =	simm.s32 $0x1BFF;
	s21 =	sshll.u32 s5, $0x1;
	s2 =	sadd.s32 s19, s18  }
0x9c: {  	s6 =	simm.s32 $0x0;
	s20 =	sshll.u32 s4, $0x1;
	s4 =	sadd.s32 s21, s2  }
0x9d: {  	[timem:s6], [sflag:s22] =	dma.local [hbm:s4], s20  }
0x9e: {  	_ =	swait.ge [sflag:s22], s20  }
0x9f: {  	s3 =	ssub.s32 $0x0, s20;
	[sflag:s22] =	ssyncset.done $0x0  }
0xa0: {  	[sflag:s22] =	ssyncadd.s32 s3;
	_ =	sdelay $0x1  }
0xa1: {  	s23 =	simm.s32 $0x1B8B  }
0xa2: {  	_ =	swait.ge [sflag:s23], $0x1  }
0xa3: {  	[sflag:s23] =	ssyncset.done $0x0  }
0xa4: {  	s25 =	simm.s32 $0x1B8E;
	s24 =	sld [smem:$0x3FFE];
	[sflag:s23] =	ssyncadd.s32 $0xFFFFFFFF  }
0xa5: {  	s26 =	simm.s32 $execute0_lowered;
	[smem:$0x3FD2] =	sst s25  }
0xa6: {  	s4 =	sshll.u32 s26, $0x1;
	_ =	strace $0x8000004C;
	[dreg:$0x1] =	wrdreg $0xFFFFFFFF  }
0xa7: {  	s28 =	simm.s32 $_size_execute0_lowered;
	s2 =	sadd.s32 s2, s4;
	[dreg:$0x0] =	wrdreg $0x0  }
0xa8: {  	s4 =	sshll.u32 s28, $0x1;
	[dreg:$0x2] =	wrdreg s2  }
0xa9: {  	[dreg:$0x3] =	wrdreg s4  }
0xaa: {  	[dreg:$0x4] =	wrdreg $0xC0  }
0xab: {  	_ =	task [dreg:s6], $0x5FFFF  }
0xac: {  	[dreg:$0x1] =	wrdreg $0xFFFFFFFF  }
0xad: {  	[dreg:$0x0] =	wrdreg $0x60  }
0xae: {  	[dreg:$0x2] =	wrdreg s24  }
0xaf: {  	[dreg:$0x3] =	wrdreg $0x82000  }
0xb0: {  	[dreg:$0x4] =	wrdreg $0x9  }
0xb1: {  	_ =	task.clear_ibuf [dreg:s6], $0x5FFFF;
	_ =	strace $0x9000004C  }
0xb2: {  	s29 =	simm.s32 $0x9;
	_ =	strace $0x8000004E  }
0xb3: {  	_ =	swait.ge [sflag:s29], $0x1  }
0xb4: {  	[sflag:s29] =	ssyncadd.s32 $0xFFFFFFFF  }
0xb5: {  	_ =	strace $0x9000004E  }
0xb6: {  	_ =	sfence  }
0xb7: {  	s30 =	sld [smem:$0x0];
	_ =	sdelay $0x2  }
0xb8: {  	s31 =	sshll.u32 s1, $0xD;
	s1 =	sshrl.u32 s1, $0x2  }
0xb9: {  	s3 =	sand.u32 $0x4000, s31;
	s1 =	sadd.s32 s1, s30  }
0xba: {  	s0 =	sor.u32 s3, s0;
	s1 =	sshll.u32 s1, $0x11  }
0xbb: {  	s0 =	sor.u32 s1, s0  }
0xbc: {  	s0 =	sadd.s32 $0x8F2B, s0  }
0xbd: {  	[sflag:s0] =	ssyncadd.remote.s32 $0x1  }
0xbe: {  	_ =	sfence.sel $0xFFFF  }
0xbf: {  	[dreg:$0x0] =	wrdreg $0xFFFFFFFF;
	(pc) =	sbr.abs _section_cstart, $3  }
0xc0: {  	[dreg:$0x1] =	wrdreg $0xFFFFFFFF  }
0xc1: {  	_ =	task.clear_ibuf [dreg:s6], $0x2FFFF;
	_ =	strace $0x9FFFFFFF  }
0xc2: {  	(tm) =	ssettm $0x7FFFFFFF  }
0xc3: {  	_ =	shalt  }
tec
execute0_lowered:
.L_overlay_start_1:
0x0: {  	(tag) =	ssettag $0x1  }
0x1: {  	s5 =	rddreg [dreg:$0x0]  }
0x2: {  	s2 =	rddreg [dreg:$0x1]  }
0x3: {  	s1 =	stileid.u32;
	s4 =	srdreg.scid;
	s3 =	simm.s32 $0x0  }
0x4: {  	s19 =	simm.s32 $0x80;
	s20 =	simm.s32 $0x200;
	s6 =	smul.u32 $0x14000, s1  }
0x5: {  	s7 =	sand.u32 $0x1, s4;
	[smem:$0x7FF] =	sst s3;
	s11 =	smul.u32 $0x50000, s1  }
0x6: {  	s4 =	sadd.s32 $0x23E00, s5;
	s16 =	sadd.s32 $0xFE00, s5;
	s14 =	smul.u32 $0x2800, s1  }
0x7: {  	s15 =	sadd.s32 $0x19E00, s5;
	s29 =	sshll.u32 s1, $0x6;
	s8 =	smul.u32 $0x140000, s7  }
0x8: {  	_ =	strace $0x8000004D;
	s22 =	ssub.s32 $0x2, s7;
	s10 =	sshll.u32 s7, $0x4  }
0x9: {  	s28 =	smul.u32 $0x28000, s7;
	s9 =	sshrl.u32 s6, $0x3;
	s23 =	sshrl.u32 s22, $0x1  }
0xa: {  	s24 =	sor.u32 s1, s10;
	s26 =	sshrl.u32 s11, $0x2;
	s6 =	sadd.s32 s6, s8  }
0xb: {  	s21 =	sadd.s32 s9, s5;
	s25 =	ssub.s32 s22, s23;
	s17 =	sadd.s32 s26, s2  }
0xc: {  	s31 =	sadd.s32 s14, s28;
	s22 =	simm.s32 $0x180;
	s23 =	simm.s32 $0x4200  }
0xd: {  	s26 =	simm.s32 $0x0;
	s6 =	sshrl.u32 s6, $0x3;
	s10 =	smax.u32 s25, $0x1  }
0xe: {  	s14 =	sor.u32 $0x100, s31;
	s18 =	sor.u32 $0x80, s31;
	s17 =	sshrl.u32 s17, $0x3  }
0xf: {  	s25 =	simm.s32 $0x2;
	s12 =	sadd.s32 s6, s5;
	s6 =	smul.u32 $0x2800, s24  }
0x10: {  	s5 =	sadd.s32 $0x73E00, s21;
	s14 =	sshrl.u32 s14, $0x3;
	s18 =	sshrl.u32 s18, $0x3  }
0x11: {  	s21 =	simm.s32 $0x100;
	s24 =	simm.s32 $0x1;
	s13 =	sshrl.u32 s6, $0x3  }
0x12: {  	s9 =	sadd.s32 $0x9BE00, s12;
	s6 =	sor.u32 $0x1C03, s29;
	s7 =	sadd.s32 s16, s13  }
0x13: {  	s8 =	sadd.s32 s15, s13;
	s30 =	sadd.s32 $0x4F0, s13;
	s13 =	sadd.s32 s14, s15  }
0x14: {  	s14 =	sadd.s32 s14, s16;
	s11 =	sadd.s32 s16, s30;
	s12 =	sadd.s32 s15, s30  }
0x15: {  	s15 =	sadd.s32 s18, s15;
	s16 =	sadd.s32 s18, s16;
	s18 =	simm.s32 $0x3  }
.LBB2_1:
0x16: {  	[spmem:s17], [sflag:s6] =	dma.local [hbm:s5], $0x2800  }
0x17: {  	_ =	swait.ge [sflag:s18], $0x2800  }
0x18: {  	[sflag:s18] =	ssyncset.done $0x0  }
0x19: {  	[sflag:s18] =	ssyncadd.s32 $0xFFFFD800  }
0x1a: {  	[bflag:$0x0] =	sbarrier.arrive $0xFFFF  }
0x1b: {  	[tilespmem:s3], [sflag:$0x3] =	stream.linear.gather [hbm4b:s7+s3], $0x80, $0x38;
	[tilespmem:$0x1C200] =	vst v63  }
0x1c: {  	_ =	swait.ge [sflag:s18], $0x80  }
0x1d: {  	[sflag:s18] =	ssyncset.done $0x0  }
0x1e: {  	[sflag:s18] =	ssyncadd.s32 $0xFFFFFF80  }
0x1f: {  	[tilespmem:s19], [sflag:$0x3] =	stream.linear.gather [hbm4b:s8+s3], $0x80, $0x38;
	[tilespmem:$0x1C200] =	vst v63  }
0x20: {  	_ =	swait.ge [sflag:s18], $0x80  }
0x21: {  	[sflag:s18] =	ssyncset.done $0x0  }
0x22: {  	[sflag:s18] =	ssyncadd.s32 $0xFFFFFF80  }
0x23: {  	[tilespmem:s20], [sflag:$0x1] =	stream.indirect.gather [hbm4b:s4+s19], $0x80, s3, s19, $0xb8;
	[tilespmem:$0x1C200] =	vst v63  }
0x24: {  	s28 =	sadd.s32 $0x0, s16  }
0x25: {  	[tilespmem:s21], [sflag:$0x3] =	stream.linear.gather [hbm4b:s28+s3], $0x80, $0x38;
	[tilespmem:$0x1C200] =	vst v63  }
0x26: {  	_ =	swait.ge [sflag:s18], $0x80  }
0x27: {  	[sflag:s18] =	ssyncset.done $0x0  }
0x28: {  	s28 =	sadd.s32 $0x0, s15;
	[sflag:s18] =	ssyncadd.s32 $0xFFFFFF80  }
0x29: {  	[tilespmem:s22], [sflag:$0x3] =	stream.linear.gather [hbm4b:s28+s3], $0x80, $0x38;
	[tilespmem:$0x1C200] =	vst v63  }
0x2a: {  	_ =	swait.ge [sflag:s18], $0x80  }
0x2b: {  	[sflag:s18] =	ssyncset.done $0x0  }
0x2c: {  	[sflag:s18] =	ssyncadd.s32 $0xFFFFFF80  }
0x2d: {  	[tilespmem:s23], [sflag:$0x2] =	stream.indirect.gather [hbm4b:s4+s19], $0x80, s21, s19, $0xb8;
	[tilespmem:$0x1C200] =	vst v63  }
0x2e: {  	_ =	swait.ge [sflag:s24], $0x4000  }
0x2f: {  	[sflag:s24] =	ssyncset.done $0x0  }
0x30: {  	[sflag:s24] =	ssyncadd.s32 $0xFFFFC000  }
0x31: {  	[spmem:s2] =	stream.indirect.scatter.add.f32 [tilespmem:s20], [sflag:$0x3], $0x80, s19, s19, $0xb8;
	[tilespmem:$0x1C200] =	vst v63  }
0x32: {  	_ =	swait.ge [sflag:s18], $0x4000  }
0x33: {  	[sflag:s18] =	ssyncset.done $0x0  }
0x34: {  	s28 =	sadd.s32 $0x0, s14;
	[sflag:s18] =	ssyncadd.s32 $0xFFFFC000  }
0x35: {  	[tilespmem:s3], [sflag:$0x3] =	stream.linear.gather [hbm4b:s28+s3], $0x80, $0x38;
	[tilespmem:$0x1C200] =	vst v63  }
0x36: {  	_ =	swait.ge [sflag:s18], $0x80  }
0x37: {  	[sflag:s18] =	ssyncset.done $0x0  }
0x38: {  	s28 =	sadd.s32 $0x0, s13;
	[sflag:s18] =	ssyncadd.s32 $0xFFFFFF80  }
0x39: {  	[tilespmem:s19], [sflag:$0x3] =	stream.linear.gather [hbm4b:s28+s3], $0x80, $0x38;
	[tilespmem:$0x1C200] =	vst v63  }
0x3a: {  	_ =	swait.ge [sflag:s18], $0x80  }
0x3b: {  	[sflag:s18] =	ssyncset.done $0x0  }
0x3c: {  	[sflag:s18] =	ssyncadd.s32 $0xFFFFFF80  }
0x3d: {  	[tilespmem:s20], [sflag:$0x1] =	stream.indirect.gather [hbm4b:s4+s19], $0x80, s3, s19, $0xb8;
	[tilespmem:$0x1C200] =	vst v63  }
0x3e: {  	_ =	swait.ge [sflag:s25], $0x4000  }
0x3f: {  	[sflag:s25] =	ssyncset.done $0x0  }
0x40: {  	[sflag:s25] =	ssyncadd.s32 $0xFFFFC000  }
0x41: {  	[spmem:s2] =	stream.indirect.scatter.add.f32 [tilespmem:s23], [sflag:$0x3], $0x80, s22, s19, $0xb8;
	[tilespmem:$0x1C200] =	vst v63  }
0x42: {  	_ =	swait.ge [sflag:s18], $0x4000  }
0x43: {  	s30 =	simm.s32 $0x40;
	s28 =	simm.s32 $0x20;
	[sflag:s18] =	ssyncset.done $0x0  }
.LBB2_2:
0x44: {  	s31 =	sadd.s32 s28, s16  }
0x45: {  	[sflag:s18] =	ssyncadd.s32 $0xFFFFC000;
	s0 =	smov.u32 s30;
	s29 =	sadd.s32 $0x20, s30  }
0x46: {  	[tilespmem:s21], [sflag:$0x3] =	stream.linear.gather [hbm4b:s31+s3], $0x80, $0x38;
	[tilespmem:$0x1C200] =	vst v63  }
0x47: {  	p0 =	sne.s32 s30, $0x4C0;
	_ =	swait.ge [sflag:s18], $0x80  }
0x48: {  	[sflag:s18] =	ssyncset.done $0x0  }
0x49: {  	s30 =	sadd.s32 s28, s15;
	[sflag:s18] =	ssyncadd.s32 $0xFFFFFF80  }
0x4a: {  	[tilespmem:s22], [sflag:$0x3] =	stream.linear.gather [hbm4b:s30+s3], $0x80, $0x38;
	[tilespmem:$0x1C200] =	vst v63  }
0x4b: {  	_ =	swait.ge [sflag:s18], $0x80  }
0x4c: {  	[sflag:s18] =	ssyncset.done $0x0  }
0x4d: {  	[sflag:s18] =	ssyncadd.s32 $0xFFFFFF80  }
0x4e: {  	[tilespmem:s23], [sflag:$0x2] =	stream.indirect.gather [hbm4b:s4+s19], $0x80, s21, s19, $0xb8;
	[tilespmem:$0x1C200] =	vst v63  }
0x4f: {  	_ =	swait.ge [sflag:s24], $0x4000  }
0x50: {  	[sflag:s24] =	ssyncset.done $0x0  }
0x51: {  	[sflag:s24] =	ssyncadd.s32 $0xFFFFC000  }
0x52: {  	[spmem:s2] =	stream.indirect.scatter.add.f32 [tilespmem:s20], [sflag:$0x3], $0x80, s19, s19, $0xb8;
	[tilespmem:$0x1C200] =	vst v63  }
0x53: {  	_ =	swait.ge [sflag:s18], $0x4000  }
0x54: {  	[sflag:s18] =	ssyncset.done $0x0  }
0x55: {  	s30 =	sadd.s32 s28, s14;
	[sflag:s18] =	ssyncadd.s32 $0xFFFFC000  }
0x56: {  	[tilespmem:s3], [sflag:$0x3] =	stream.linear.gather [hbm4b:s30+s3], $0x80, $0x38;
	[tilespmem:$0x1C200] =	vst v63  }
0x57: {  	_ =	swait.ge [sflag:s18], $0x80  }
0x58: {  	[sflag:s18] =	ssyncset.done $0x0  }
0x59: {  	s30 =	sadd.s32 s28, s13;
	s28 =	smov.u32 s0;
	[sflag:s18] =	ssyncadd.s32 $0xFFFFFF80  }
0x5a: {  	[tilespmem:s19], [sflag:$0x3] =	stream.linear.gather [hbm4b:s30+s3], $0x80, $0x38;
	[tilespmem:$0x1C200] =	vst v63  }
0x5b: {  	_ =	swait.ge [sflag:s18], $0x80  }
0x5c: {  	[sflag:s18] =	ssyncset.done $0x0  }
0x5d: {  	[sflag:s18] =	ssyncadd.s32 $0xFFFFFF80  }
0x5e: {  	[tilespmem:s20], [sflag:$0x1] =	stream.indirect.gather [hbm4b:s4+s19], $0x80, s3, s19, $0xb8;
	[tilespmem:$0x1C200] =	vst v63  }
0x5f: {  	_ =	swait.ge [sflag:s25], $0x4000  }
.Ltmp0:
0x60: {  	[sflag:s25] =	ssyncset.done $0x0;
	(pc) =	sbr.rel @p0 .LBB2_2-.Ltmp0, $4  }
0x61: {  	[sflag:s25] =	ssyncadd.s32 $0xFFFFC000  }
0x62: {  	[spmem:s2] =	stream.indirect.scatter.add.f32 [tilespmem:s23], [sflag:$0x3], $0x80, s22, s19, $0xb8;
	[tilespmem:$0x1C200] =	vst v63  }
0x63: {  	_ =	swait.ge [sflag:s18], $0x4000  }
0x64: {  	s30 =	smov.u32 s29;
	[sflag:s18] =	ssyncset.done $0x0  }
0x65: {  	s0 =	sadd.s32 s28, s16;
	[sflag:s18] =	ssyncadd.s32 $0xFFFFC000  }
0x66: {  	[tilespmem:s21], [sflag:$0x3] =	stream.linear.gather [hbm4b:s0+s3], $0x80, $0x38;
	[tilespmem:$0x1C200] =	vst v63  }
0x67: {  	_ =	swait.ge [sflag:s18], $0x80  }
0x68: {  	[sflag:s18] =	ssyncset.done $0x0  }
0x69: {  	s29 =	sadd.s32 s28, s15;
	[sflag:s18] =	ssyncadd.s32 $0xFFFFFF80  }
0x6a: {  	[tilespmem:s22], [sflag:$0x3] =	stream.linear.gather [hbm4b:s29+s3], $0x80, $0x38;
	[tilespmem:$0x1C200] =	vst v63  }
0x6b: {  	_ =	swait.ge [sflag:s18], $0x80  }
0x6c: {  	[sflag:s18] =	ssyncset.done $0x0  }
0x6d: {  	[sflag:s18] =	ssyncadd.s32 $0xFFFFFF80  }
0x6e: {  	[tilespmem:s23], [sflag:$0x2] =	stream.indirect.gather [hbm4b:s4+s19], $0x80, s21, s19, $0xb8;
	[tilespmem:$0x1C200] =	vst v63  }
0x6f: {  	_ =	swait.ge [sflag:s24], $0x4000  }
0x70: {  	[sflag:s24] =	ssyncset.done $0x0  }
0x71: {  	[sflag:s24] =	ssyncadd.s32 $0xFFFFC000  }
0x72: {  	[spmem:s2] =	stream.indirect.scatter.add.f32 [tilespmem:s20], [sflag:$0x3], $0x80, s19, s19, $0xb8;
	[tilespmem:$0x1C200] =	vst v63  }
0x73: {  	_ =	swait.ge [sflag:s18], $0x4000  }
0x74: {  	[sflag:s18] =	ssyncset.done $0x0  }
0x75: {  	s30 =	sadd.s32 s28, s14;
	[sflag:s18] =	ssyncadd.s32 $0xFFFFC000  }
0x76: {  	[tilespmem:s3], [sflag:$0x3] =	stream.linear.gather [hbm4b:s30+s3], $0x80, $0x38;
	[tilespmem:$0x1C200] =	vst v63  }
0x77: {  	_ =	swait.ge [sflag:s18], $0x80  }
0x78: {  	[sflag:s18] =	ssyncset.done $0x0  }
0x79: {  	s31 =	sadd.s32 s28, s13;
	[sflag:s18] =	ssyncadd.s32 $0xFFFFFF80  }
0x7a: {  	[tilespmem:s19], [sflag:$0x3] =	stream.linear.gather [hbm4b:s31+s3], $0x80, $0x38;
	[tilespmem:$0x1C200] =	vst v63  }
0x7b: {  	_ =	swait.ge [sflag:s18], $0x80  }
0x7c: {  	[sflag:s18] =	ssyncset.done $0x0  }
0x7d: {  	[sflag:s18] =	ssyncadd.s32 $0xFFFFFF80  }
0x7e: {  	[tilespmem:s20], [sflag:$0x1] =	stream.indirect.gather [hbm4b:s4+s19], $0x80, s3, s19, $0xb8;
	[tilespmem:$0x1C200] =	vst v63  }
0x7f: {  	_ =	swait.ge [sflag:s25], $0x4000  }
0x80: {  	[sflag:s25] =	ssyncset.done $0x0  }
0x81: {  	[sflag:s25] =	ssyncadd.s32 $0xFFFFC000  }
0x82: {  	[spmem:s2] =	stream.indirect.scatter.add.f32 [tilespmem:s23], [sflag:$0x3], $0x80, s22, s19, $0xb8;
	[tilespmem:$0x1C200] =	vst v63  }
0x83: {  	_ =	swait.ge [sflag:s18], $0x4000  }
0x84: {  	[sflag:s18] =	ssyncset.done $0x0  }
0x85: {  	[sflag:s18] =	ssyncadd.s32 $0xFFFFC000  }
0x86: {  	[tilespmem:s21], [sflag:$0x3] =	stream.linear.gather [hbm4b:s11+s3], $0x80, $0x38;
	[tilespmem:$0x1C200] =	vst v63  }
0x87: {  	_ =	swait.ge [sflag:s18], $0x80  }
0x88: {  	[sflag:s18] =	ssyncset.done $0x0  }
0x89: {  	[sflag:s18] =	ssyncadd.s32 $0xFFFFFF80  }
0x8a: {  	[tilespmem:s22], [sflag:$0x3] =	stream.linear.gather [hbm4b:s12+s3], $0x80, $0x38;
	[tilespmem:$0x1C200] =	vst v63  }
0x8b: {  	_ =	swait.ge [sflag:s18], $0x80  }
0x8c: {  	[sflag:s18] =	ssyncset.done $0x0  }
0x8d: {  	[sflag:s18] =	ssyncadd.s32 $0xFFFFFF80  }
0x8e: {  	[tilespmem:s23], [sflag:$0x2] =	stream.indirect.gather [hbm4b:s4+s19], $0x80, s21, s19, $0xb8;
	[tilespmem:$0x1C200] =	vst v63  }
0x8f: {  	_ =	swait.ge [sflag:s24], $0x4000  }
0x90: {  	[sflag:s24] =	ssyncset.done $0x0  }
0x91: {  	[sflag:s24] =	ssyncadd.s32 $0xFFFFC000  }
0x92: {  	[spmem:s2] =	stream.indirect.scatter.add.f32 [tilespmem:s20], [sflag:$0x3], $0x80, s19, s19, $0xb8;
	[tilespmem:$0x1C200] =	vst v63  }
0x93: {  	_ =	swait.ge [sflag:s18], $0x4000  }
0x94: {  	[sflag:s18] =	ssyncset.done $0x0  }
0x95: {  	[sflag:s18] =	ssyncadd.s32 $0xFFFFC000  }
0x96: {  	_ =	swait.ge [sflag:s25], $0x4000  }
0x97: {  	[sflag:s25] =	ssyncset.done $0x0  }
0x98: {  	[sflag:s25] =	ssyncadd.s32 $0xFFFFC000  }
0x99: {  	[spmem:s2] =	stream.indirect.scatter.add.f32 [tilespmem:s23], [sflag:$0x3], $0x80, s22, s19, $0xb8;
	[tilespmem:$0x1C200] =	vst v63  }
0x9a: {  	_ =	swait.ge [sflag:s18], $0x4000  }
0x9b: {  	s26 =	sadd.s32 $0x1, s26;
	[sflag:s18] =	ssyncset.done $0x0  }
0x9c: {  	p0 =	sne.s32 s26, s10;
	[sflag:s18] =	ssyncadd.s32 $0xFFFFC000  }
.Ltmp1:
0x9d: {  	[bflag:$0x0] =	sbarrier.arrive $0xFFFF;
	(pc) =	sbr.rel @p0 .LBB2_1-.Ltmp1, $4  }
0x9e: {  	[hbm:s9], [sflag:s6] =	dma.local [spmem:s17], $0x2800  }
0x9f: {  	_ =	swait.ge [sflag:s18], $0x2800  }
0xa0: {  	[sflag:s18] =	ssyncset.done $0x0  }
0xa1: {  	[sflag:s18] =	ssyncadd.s32 $0xFFFFD800  }
0xa2: {  	_ =	sfence.sel $0x180000  }
0xa3: {  	[bflag:$0x0] =	sbarrier.arrive $0xFFFF  }
0xa4: {  	_ =	strace $0x9000004D  }
0xa5: {  	[bflag:$0x2] =	sbarrier.arrive $0xFFFF  }
0xa6: {  	p0 =	sne.s32 s1, $0x0;
	s0 =	rddreg [dreg:$0x2]  }
0xa7: {  	s0 =	sadd.s32 @!p0 $0x100000, s0  }
0xa8: {  	[sflag:s0] =	ssyncadd.tile.s32 @!p0 $0x1;
	_ =	shalt  }
.Lfunc_end2:
_tile_overlayer_lowered:
.L_overlay_start_2:
0xa9: {  	(tag) =	ssettag $0x2  }
0xaa: {  	s0 =	rddreg [dreg:$0x0];
	s2 =	stileid.u32  }
0xab: {  	s1 =	rddreg [dreg:$0x1];
	p0 =	sne.s32 s2, $0x0  }
0xac: {  	s3 =	rddreg [dreg:$0x2];
	[bflag:$0x3] =	sbarrier.arrive $0xFFFF;
	s2 =	simm.s32 @!p0 $0x1C03  }
0xad: {  	[timem:s3], [sflag:s2] =	dma.local @!p0 [hbm:s0], s1  }
0xae: {  	s0 =	simm.s32 @!p0 $0x3  }
0xaf: {  	_ =	swait.ge @!p0 [sflag:s0], s1  }
0xb0: {  	s1 =	ssub.s32 @!p0 $0x0, s1;
	[sflag:s0] =	ssyncset.done @!p0 $0x0  }
0xb1: {  	[sflag:s0] =	ssyncadd.s32 @!p0 s1  }
0xb2: {  	[bflag:$0x3] =	sbarrier.arrive $0xFFFF  }
0xb3: {  	_ =	shalt  }

// kernel: kernel.8.cloned.1.call-start
scs
__scs_entry_jumppad:
0x0: {  	(pc) =	sbr.rel $0x88, $3  }
0x1: {  	(tag) =	ssettag $0x0;
	lr =	simm.s32 $0x1  }
0x2: {  	[smem:$0x3F89] =	sst lr;
	_ =	strace $0xD0000000  }
0x3: {  	_ = 	snop  }
0x4: {  	_ = 	snop  }
0x5: {  	_ = 	snop  }
0x6: {  	_ = 	snop  }
0x7: {  	_ = 	snop  }
__scs_overlays_trampoline_lowered:
0x8: {  	[smem:$0x3F98] =	sst s0  }
0x9: {  	[smem:$0x3F99] =	sst s1  }
0xa: {  	[smem:$0x3F9A] =	sst s2  }
0xb: {  	[smem:$0x3F9B] =	sst s3  }
0xc: {  	[smem:$0x3F9C] =	sst s4  }
0xd: {  	[smem:$0x3F9D] =	sst s5  }
0xe: {  	[smem:$0x3F9E] =	sst s6  }
0xf: {  	[smem:$0x3F9F] =	sst s7  }
0x10: {  	[smem:$0x3FA0] =	sst s8  }
0x11: {  	[smem:$0x3FA1] =	sst s9;
	s0 =	simm.s32 @!p0 $0x0  }
0x12: {  	s1 =	sld [smem:$0x3F87];
	s0 =	simm.s32 @p0 $0x1  }
0x13: {  	[smem:$0x3FA2] =	sst s0;
	s0 =	simm.s32 @!p1 $0x0  }
0x14: {  	s2 =	sld [smem:$0x3F86];
	s0 =	simm.s32 @p1 $0x1  }
0x15: {  	[smem:$0x3FA3] =	sst s0;
	s0 =	simm.s32 @!p2 $0x0  }
0x16: {  	s3 =	sld [smem:$0x3FDB];
	s0 =	simm.s32 @p2 $0x1  }
0x17: {  	s4 =	simm.s32 $0x1BF5;
	[smem:$0x3FA5] =	sst s0  }
0x18: {  	s0 =	sld [smem:$0x3F88];
	_ =	swait.ge [sflag:s4], $0x0  }
0x19: {  	s7 =	sld [smem:$0x3F89]  }
0x1a: {  	s8 =	sadd.s32 $0xFFFFE003, lr  }
0x1b: {  	s9 =	sadd.s32 $0xFFFFFEF7, lr;
	s5 =	simm.s32 $0xFFFFFFFF;
	p2 =	slt.u32 s8, $0xFFFFF086  }
0x1c: {  	p1 =	slt.u32 s9, $0xF7A;
	s5 =	simm.s32 @!p2 $0x0  }
0x1d: {  	s5 =	simm.s32 @p1 $0x1;
	p0 =	seq.s32 s7, s2  }
0x1e: {  	s7 =	smul.u32 @!p0 $0xF7A, s2;
	p2 =	seq.s32 @!p0 s5, $0x0  }
0x1f: {  	s9 =	smul.u32 $0xF7A, s1;
	s8 =	simm.s32 @!p0 $0x1BF5;
	p2 =	por !p2, p0  }
0x20: {  	[sflag:s8] =	ssyncset.s32 @!p0 $0xFFFFF086;
	s6 =	sadd.s32 @!p0 s3, s7;
	s7 =	simm.s32 @!p0 $0x108  }
0x21: {  	s3 =	sadd.s32 s3, s9;
	s6 =	sadd.s32 @!p0 $0x88, s6;
	s7 =	simm.s32 @p2 $0x1082  }
0x22: {  	[simem:s7], [sflag:s8] =	dma.local @!p0 [hbm:s6], $0xF7A  }
0x23: {  	s9 =	sor.u32 $0xD0000000, s2;
	s6 =	simm.s32 $0x108;
	_ =	swait.ge @!p0 [sflag:s8], $0x0  }
0x24: {  	s3 =	sadd.s32 $0x88, s3;
	s6 =	simm.s32 @!p1 $0x1082;
	[sflag:s4] =	ssyncset.s32 $0xFFFFF086  }
0x25: {  	[simem:s6], [sflag:s4] =	dma.local [hbm:s3], $0xF7A  }
0x26: {  	[smem:$0x3F89] =	sst s1;
	(tag) =	ssettag s2;
	_ =	strace s9  }
0x27: {  	s1 =	sld [smem:$0x3F99]  }
0x28: {  	s2 =	sld [smem:$0x3F9A]  }
0x29: {  	s4 =	sld [smem:$0x3F9C]  }
0x2a: {  	p0 =	seq.s32 s5, $0x0;
	s5 =	sld [smem:$0x3F9D]  }
0x2b: {  	s6 =	sld [smem:$0x3F9E]  }
0x2c: {  	s7 =	sld [smem:$0x3F9F]  }
0x2d: {  	s3 =	simm.s32 $0x108;
	s8 =	sld [smem:$0x3FA0]  }
0x2e: {  	s3 =	simm.s32 @!p0 $0x1082;
	s9 =	sld [smem:$0x3FA1]  }
0x2f: {  	lr =	sadd.s32 s0, s3;
	s0 =	sld [smem:$0x3F98]  }
0x30: {  	s3 =	sld [smem:$0x3F9B]  }
0x31: {  	[smem:$0x3FA4] =	sst s10  }
0x32: {  	s10 =	sld [smem:$0x3FA2];
	_ =	sdelay $0x3  }
0x33: {  	p0 =	seq.s32 s10, $0x1;
	s10 =	sld [smem:$0x3FA4];
	_ =	sdelay $0x3  }
0x34: {  	[smem:$0x3FA4] =	sst s10  }
0x35: {  	s10 =	sld [smem:$0x3FA3];
	_ =	sdelay $0x3  }
0x36: {  	p1 =	seq.s32 s10, $0x1;
	s10 =	sld [smem:$0x3FA4];
	_ =	sdelay $0x3  }
0x37: {  	[smem:$0x3FA4] =	sst s10  }
0x38: {  	s10 =	sld [smem:$0x3FA5]  }
0x39: {  	_ = 	snop;
	(pc) =	sbr.ind lr, $3  }
0x3a: {  	_ = 	snop  }
0x3b: {  	_ = 	snop  }
0x3c: {  	p2 =	seq.s32 s10, $0x1;
	s10 =	sld [smem:$0x3FA4]  }
0x3d: {  	_ =	shalt  }
0x3e: {  	_ =	shalt  }
0x3f: {  	_ =	shalt  }
0x40: {  	_ =	shalt  }
0x41: {  	_ =	shalt  }
0x42: {  	_ =	shalt  }
0x43: {  	_ =	shalt  }
0x44: {  	_ =	shalt  }
0x45: {  	_ =	shalt  }
0x46: {  	_ =	shalt  }
0x47: {  	_ =	shalt  }
0x48: {  	_ =	shalt  }
0x49: {  	_ =	shalt  }
0x4a: {  	_ =	shalt  }
0x4b: {  	_ =	shalt  }
0x4c: {  	_ =	shalt  }
0x4d: {  	_ =	shalt  }
0x4e: {  	_ =	shalt  }
0x4f: {  	_ =	shalt  }
0x50: {  	_ =	shalt  }
0x51: {  	_ =	shalt  }
0x52: {  	_ =	shalt  }
0x53: {  	_ =	shalt  }
0x54: {  	_ =	shalt  }
0x55: {  	_ =	shalt  }
0x56: {  	_ =	shalt  }
0x57: {  	_ =	shalt  }
0x58: {  	_ =	shalt  }
0x59: {  	_ =	shalt  }
0x5a: {  	_ =	shalt  }
0x5b: {  	_ =	shalt  }
0x5c: {  	_ =	shalt  }
0x5d: {  	_ =	shalt  }
0x5e: {  	_ =	shalt  }
0x5f: {  	_ =	shalt  }
0x60: {  	_ =	shalt  }
0x61: {  	_ =	shalt  }
0x62: {  	_ =	shalt  }
0x63: {  	_ =	shalt  }
0x64: {  	_ =	shalt  }
0x65: {  	_ =	shalt  }
0x66: {  	_ =	shalt  }
0x67: {  	_ =	shalt  }
0x68: {  	_ =	shalt  }
0x69: {  	_ =	shalt  }
0x6a: {  	_ =	shalt  }
0x6b: {  	_ =	shalt  }
0x6c: {  	_ =	shalt  }
0x6d: {  	_ =	shalt  }
0x6e: {  	_ =	shalt  }
0x6f: {  	_ =	shalt  }
0x70: {  	_ =	shalt  }
0x71: {  	_ =	shalt  }
0x72: {  	_ =	shalt  }
0x73: {  	_ =	shalt  }
0x74: {  	_ =	shalt  }
0x75: {  	_ =	shalt  }
0x76: {  	_ =	shalt  }
0x77: {  	_ =	shalt  }
0x78: {  	_ =	shalt  }
0x79: {  	_ =	shalt  }
0x7a: {  	_ =	shalt  }
0x7b: {  	_ =	shalt  }
0x7c: {  	_ =	shalt  }
0x7d: {  	_ =	shalt  }
0x7e: {  	_ =	shalt  }
0x7f: {  	_ =	shalt  }
0x80: {  	_ =	shalt  }
0x81: {  	_ =	shalt  }
0x82: {  	_ =	shalt  }
0x83: {  	_ =	shalt  }
0x84: {  	_ =	shalt  }
0x85: {  	_ =	shalt  }
0x86: {  	_ =	shalt  }
0x87: {  	_ =	shalt  }
.Lfunc_end0:
.L_simem_size_0:
called_computation_lowered:
.L_overlay_start_0:
0x88: {  	s2 =	sld [smem:$0x3FD9]  }
0x89: {  	s3 =	sld [smem:$0x3FFE];
	_ =	sdelay $0x1  }
0x8a: {  	s1 =	srdreg.scid  }
0x8b: {  	s0 =	sand.u32 $0x1, s1  }
0x8c: {  	s16 =	sshll.u32 s0, $0xA;
	s2 =	sadd.s32 s3, s2  }
0x8d: {  	s2 =	sadd.s32 s2, s16  }
0x8e: {  	[smem:$0x3FB0] =	sst s2  }
0x8f: {  	_ = 	snop  }
0x90: {  	(tm) =	ssettm $0x1  }
0x91: {  	s17 =	sld [smem:$0x3FFB];
	_ =	sdelay $0x3  }
0x92: {  	_ =	strace s17  }
0x93: {  	s2 =	sld [smem:$0x3FFC];
	_ =	sdelay $0x3  }
0x94: {  	_ =	strace s2  }
0x95: {  	s2 =	sld [smem:$0x3FFD];
	_ =	sdelay $0x3  }
0x96: {  	_ =	strace s2  }
0x97: {  	_ =	strace $0x8FFFFFFF  }
0x98: {  	s18 =	sld [smem:$0x3FDB];
	_ =	sdelay $0x1  }
0x99: {  	s19 =	simm.s32 $_scs_section_size  }
0x9a: {  	s4 =	simm.s32 $_size__tile_overlayer_lowered;
	s5 =	simm.s32 $_tile_overlayer_lowered  }
0x9b: {  	s22 =	simm.s32 $0x1BFF;
	s21 =	sshll.u32 s5, $0x1;
	s2 =	sadd.s32 s19, s18  }
0x9c: {  	s6 =	simm.s32 $0x0;
	s20 =	sshll.u32 s4, $0x1;
	s4 =	sadd.s32 s21, s2  }
0x9d: {  	[timem:s6], [sflag:s22] =	dma.local [hbm:s4], s20  }
0x9e: {  	_ =	swait.ge [sflag:s22], s20  }
0x9f: {  	s3 =	ssub.s32 $0x0, s20;
	[sflag:s22] =	ssyncset.done $0x0  }
0xa0: {  	[sflag:s22] =	ssyncadd.s32 s3;
	_ =	sdelay $0x1  }
0xa1: {  	s23 =	simm.s32 $0x1B8B  }
0xa2: {  	_ =	swait.ge [sflag:s23], $0x1  }
0xa3: {  	[sflag:s23] =	ssyncset.done $0x0  }
0xa4: {  	s25 =	simm.s32 $0x1B8E;
	s24 =	sld [smem:$0x3FFE];
	[sflag:s23] =	ssyncadd.s32 $0xFFFFFFFF  }
0xa5: {  	s26 =	simm.s32 $execute0_lowered;
	[smem:$0x3FD2] =	sst s25  }
0xa6: {  	s4 =	sshll.u32 s26, $0x1;
	_ =	strace $0x80000046;
	[dreg:$0x1] =	wrdreg $0xFFFFFFFF  }
0xa7: {  	s28 =	simm.s32 $_size_execute0_lowered;
	s2 =	sadd.s32 s2, s4;
	[dreg:$0x0] =	wrdreg $0x0  }
0xa8: {  	s4 =	sshll.u32 s28, $0x1;
	[dreg:$0x2] =	wrdreg s2  }
0xa9: {  	[dreg:$0x3] =	wrdreg s4  }
0xaa: {  	[dreg:$0x4] =	wrdreg $0xC0  }
0xab: {  	_ =	task [dreg:s6], $0x5FFFF  }
0xac: {  	[dreg:$0x1] =	wrdreg $0xFFFFFFFF  }
0xad: {  	[dreg:$0x0] =	wrdreg $0x60  }
0xae: {  	[dreg:$0x2] =	wrdreg s24  }
0xaf: {  	[dreg:$0x3] =	wrdreg $0x5A800  }
0xb0: {  	[dreg:$0x4] =	wrdreg $0x9  }
0xb1: {  	_ =	task.clear_ibuf [dreg:s6], $0x5FFFF;
	_ =	strace $0x90000046  }
0xb2: {  	s29 =	simm.s32 $0x9;
	_ =	strace $0x80000048  }
0xb3: {  	_ =	swait.ge [sflag:s29], $0x1  }
0xb4: {  	[sflag:s29] =	ssyncadd.s32 $0xFFFFFFFF  }
0xb5: {  	_ =	strace $0x90000048  }
0xb6: {  	_ =	sfence  }
0xb7: {  	s30 =	sld [smem:$0x0];
	_ =	sdelay $0x2  }
0xb8: {  	s31 =	sshll.u32 s1, $0xD;
	s1 =	sshrl.u32 s1, $0x2  }
0xb9: {  	s3 =	sand.u32 $0x4000, s31;
	s1 =	sadd.s32 s1, s30  }
0xba: {  	s0 =	sor.u32 s3, s0;
	s1 =	sshll.u32 s1, $0x11  }
0xbb: {  	s0 =	sor.u32 s1, s0  }
0xbc: {  	s0 =	sadd.s32 $0x8F2B, s0  }
0xbd: {  	[sflag:s0] =	ssyncadd.remote.s32 $0x1  }
0xbe: {  	_ =	sfence.sel $0xFFFF  }
0xbf: {  	[dreg:$0x0] =	wrdreg $0xFFFFFFFF;
	(pc) =	sbr.abs _section_cstart, $3  }
0xc0: {  	[dreg:$0x1] =	wrdreg $0xFFFFFFFF  }
0xc1: {  	_ =	task.clear_ibuf [dreg:s6], $0x2FFFF;
	_ =	strace $0x9FFFFFFF  }
0xc2: {  	(tm) =	ssettm $0x7FFFFFFF  }
0xc3: {  	_ =	shalt  }
tec
execute0_lowered:
.L_overlay_start_1:
0x0: {  	(tag) =	ssettag $0x1  }
0x1: {  	s0 =	srdreg.scid;
	s5 =	rddreg [dreg:$0x0]  }
0x2: {  	s10 =	rddreg [dreg:$0x1];
	s2 =	simm.s32 $0x0;
	s15 =	simm.s32 $0x80  }
0x3: {  	s16 =	simm.s32 $0x400;
	s17 =	simm.s32 $0x1400;
	s18 =	simm.s32 $0x14000  }
0x4: {  	s19 =	simm.s32 $0x3000;
	s20 =	simm.s32 $0x100;
	s21 =	simm.s32 $0x5800  }
0x5: {  	s22 =	simm.s32 $0x0;
	s4 =	sand.u32 $0x1, s0;
	s0 =	stileid.u32  }
0x6: {  	[smem:$0x7FF] =	sst s2;
	s1 =	sshll.u32 s4, $0x4;
	s6 =	smul.u32 $0x500, s0  }
0x7: {  	s7 =	sshll.u32 s4, $0x7;
	s4 =	ssub.s32 $0x2, s4;
	s31 =	sshrl.u32 s0, $0x3  }
0x8: {  	s13 =	smul.u32 $0x5000, s0;
	s14 =	sshll.u32 s0, $0x7;
	s1 =	sor.u32 s0, s1  }
0x9: {  	s30 =	sshrl.u32 s4, $0x1;
	s9 =	smul.u32 $0x50000, s31;
	s14 =	sand.u32 $0x380, s14  }
0xa: {  	s3 =	smul.u32 $0x2710, s1;
	s1 =	rddreg [dreg:$0x2];
	_ =	strace $0x80000047  }
0xb: {  	s6 =	sor.u32 s7, s6;
	s12 =	ssub.s32 s4, s30;
	s13 =	sshrl.u32 s13, $0x2  }
0xc: {  	s6 =	sshrl.u32 s6, $0x3;
	s9 =	sshrl.u32 s9, $0x2;
	s12 =	smax.u32 s12, $0x1  }
0xd: {  	s3 =	sshrl.u32 s3, $0x3;
	s11 =	sadd.s32 s6, s5;
	s9 =	sadd.s32 s9, s10  }
0xe: {  	s10 =	sadd.s32 s13, s10;
	s13 =	simm.s32 $0x1;
	s8 =	sadd.s32 s3, s5  }
0xf: {  	s3 =	sadd.s32 $0xEE00, s5;
	s9 =	sadd.s32 s14, s9;
	s11 =	sadd.s32 $0xF400, s11  }
0x10: {  	s14 =	simm.s32 $0x2800;
	s4 =	sadd.s32 $0x5000, s8;
	s5 =	sadd.s32 $0x50FA, s8  }
0x11: {  	v0 =	vimm.f32 $1.000000000e+00;
	s6 =	sadd.s32 $0x51F4, s8;
	s7 =	sadd.s32 $0x52EE, s8;
	s8 =	sadd.s32 $0x53E8, s8  }
.LBB2_1:
0x12: {  	[tilespmem:s2], [sflag:$0x1] =	stream.linear.gather [hbm4b:s3+s2], $0x2800, $0x38;
	[tilespmem:$0x8280] =	vst v63  }
0x13: {  	_ =	swait.ge [sflag:s13], $0x2800  }
0x14: {  	[sflag:s13] =	ssyncset.done $0x0  }
0x15: {  	[sflag:s13] =	ssyncadd.s32 $0xFFFFD800  }
0x16: {  	[tilespmem:s14], [sflag:$0x1] =	stream.linear.gather [hbm4b:s4+s2], $0x7D0, $0x38;
	[tilespmem:$0x8280] =	vst v63  }
0x17: {  	_ =	swait.ge [sflag:s13], $0x7D0  }
0x18: {  	[sflag:s13] =	ssyncset.done $0x0  }
0x19: {  	s24 =	simm.s32 $0x0;
	s23 =	simm.s32 $0x40;
	[sflag:s13] =	ssyncadd.s32 $0xFFFFF830  }
.LBB2_2:
0x1a: {  	p0 =	sne.s32 s23, $0x1F00;
	v1 =	vld [tilespmem:s24+$0x2800];
	_ =	sdelay $0x3  }
.Ltmp0:
0x1b: {  	(pc) =	sbr.rel @p0 .LBB2_2-.Ltmp0, $2  }
0x1c: {  	_ =	sdelay $0x2  }
0x1d: {  	s24 =	sshra.s32 s23, $0x2;
	s23 =	sadd.s32 $0x40, s23;
	[tilespmem:v1+s2+$0x0] =	vst.idx.add.f32.msk $0xffff, v0  }
0x1e: {  	v1 =	vld [tilespmem:s24+$0x2800];
	_ =	sdelay $0x7  }
0x1f: {  	s23 =	simm.s32 $0x0;
	[tilespmem:v1+s2+$0x0] =	vst.idx.add.f32.msk $0xffff, v0  }
0x20: {  	[tilespmem:s14], [sflag:$0x1] =	stream.linear.gather [hbm4b:s5+s23], $0x7D0, $0x38;
	[tilespmem:$0x8280] =	vst v63  }
0x21: {  	_ =	swait.ge [sflag:s13], $0x7D0  }
0x22: {  	[sflag:s13] =	ssyncset.done $0x0  }
0x23: {  	s24 =	simm.s32 $0x0;
	s23 =	simm.s32 $0x40;
	[sflag:s13] =	ssyncadd.s32 $0xFFFFF830  }
.LBB2_4:
0x24: {  	p0 =	sne.s32 s23, $0x1F00;
	v1 =	vld [tilespmem:s24+$0x2800];
	_ =	sdelay $0x3  }
.Ltmp1:
0x25: {  	(pc) =	sbr.rel @p0 .LBB2_4-.Ltmp1, $2  }
0x26: {  	_ =	sdelay $0x2  }
0x27: {  	s24 =	sshra.s32 s23, $0x2;
	s23 =	sadd.s32 $0x40, s23;
	[tilespmem:v1+s2+$0x0] =	vst.idx.add.f32.msk $0xffff, v0  }
0x28: {  	v1 =	vld [tilespmem:s24+$0x2800];
	_ =	sdelay $0x7  }
0x29: {  	s23 =	simm.s32 $0x0;
	[tilespmem:v1+s2+$0x0] =	vst.idx.add.f32.msk $0xffff, v0  }
0x2a: {  	[tilespmem:s14], [sflag:$0x1] =	stream.linear.gather [hbm4b:s6+s23], $0x7D0, $0x38;
	[tilespmem:$0x8280] =	vst v63  }
0x2b: {  	_ =	swait.ge [sflag:s13], $0x7D0  }
0x2c: {  	[sflag:s13] =	ssyncset.done $0x0  }
0x2d: {  	s24 =	simm.s32 $0x0;
	s23 =	simm.s32 $0x40;
	[sflag:s13] =	ssyncadd.s32 $0xFFFFF830  }
.LBB2_6:
0x2e: {  	p0 =	sne.s32 s23, $0x1F00;
	v1 =	vld [tilespmem:s24+$0x2800];
	_ =	sdelay $0x3  }
.Ltmp2:
0x2f: {  	(pc) =	sbr.rel @p0 .LBB2_6-.Ltmp2, $2  }
0x30: {  	_ =	sdelay $0x2  }
0x31: {  	s24 =	sshra.s32 s23, $0x2;
	s23 =	sadd.s32 $0x40, s23;
	[tilespmem:v1+s2+$0x0] =	vst.idx.add.f32.msk $0xffff, v0  }
0x32: {  	v1 =	vld [tilespmem:s24+$0x2800];
	_ =	sdelay $0x7  }
0x33: {  	s23 =	simm.s32 $0x0;
	[tilespmem:v1+s2+$0x0] =	vst.idx.add.f32.msk $0xffff, v0  }
0x34: {  	[tilespmem:s14], [sflag:$0x1] =	stream.linear.gather [hbm4b:s7+s23], $0x7D0, $0x38;
	[tilespmem:$0x8280] =	vst v63  }
0x35: {  	_ =	swait.ge [sflag:s13], $0x7D0  }
0x36: {  	[sflag:s13] =	ssyncset.done $0x0  }
0x37: {  	s24 =	simm.s32 $0x0;
	s23 =	simm.s32 $0x40;
	[sflag:s13] =	ssyncadd.s32 $0xFFFFF830  }
.LBB2_8:
0x38: {  	p0 =	sne.s32 s23, $0x1F00;
	v1 =	vld [tilespmem:s24+$0x2800];
	_ =	sdelay $0x3  }
.Ltmp3:
0x39: {  	(pc) =	sbr.rel @p0 .LBB2_8-.Ltmp3, $2  }
0x3a: {  	_ =	sdelay $0x2  }
0x3b: {  	s24 =	sshra.s32 s23, $0x2;
	s23 =	sadd.s32 $0x40, s23;
	[tilespmem:v1+s2+$0x0] =	vst.idx.add.f32.msk $0xffff, v0  }
0x3c: {  	v1 =	vld [tilespmem:s24+$0x2800];
	_ =	sdelay $0x7  }
0x3d: {  	s23 =	simm.s32 $0x0;
	[tilespmem:v1+s2+$0x0] =	vst.idx.add.f32.msk $0xffff, v0  }
0x3e: {  	[tilespmem:s14], [sflag:$0x1] =	stream.linear.gather [hbm4b:s8+s23], $0x7D0, $0x38;
	[tilespmem:$0x8280] =	vst v63  }
0x3f: {  	_ =	swait.ge [sflag:s13], $0x7D0  }
0x40: {  	[sflag:s13] =	ssyncset.done $0x0  }
0x41: {  	s24 =	simm.s32 $0x0;
	s23 =	simm.s32 $0x40;
	[sflag:s13] =	ssyncadd.s32 $0xFFFFF830  }
.LBB2_10:
0x42: {  	p0 =	sne.s32 s23, $0x1F00;
	v1 =	vld [tilespmem:s24+$0x2800];
	_ =	sdelay $0x3  }
.Ltmp4:
0x43: {  	(pc) =	sbr.rel @p0 .LBB2_10-.Ltmp4, $2  }
0x44: {  	_ =	sdelay $0x2  }
0x45: {  	s24 =	sshra.s32 s23, $0x2;
	s23 =	sadd.s32 $0x40, s23;
	[tilespmem:v1+s2+$0x0] =	vst.idx.add.f32.msk $0xffff, v0  }
0x46: {  	v1 =	vld [tilespmem:s24+$0x2800];
	_ =	sdelay $0x7  }
0x47: {  	s23 =	simm.s32 $0x0;
	[tilespmem:v1+s2+$0x0] =	vst.idx.add.f32.msk $0xffff, v0  }
0x48: {  	[spmem:s9] =	stream.strided.scatter [tilespmem:s23], [sflag:$0x1], $0x2800, s16, s15, $0x38;
	[tilespmem:$0x8280] =	vst v63  }
0x49: {  	_ =	swait.ge [sflag:s13], $0x2800  }
0x4a: {  	[sflag:s13] =	ssyncset.done $0x0  }
0x4b: {  	[sflag:s13] =	ssyncadd.s32 $0xFFFFD800  }
0x4c: {  	[bflag:$0x0] =	sbarrier.arrive $0xFFFF  }
0x4d: {  	[tilespmem:s19], [sflag:$0x1] =	stream.strided.gather [spmem:s10], $0x2800, s18, s17, $0x38;
	[tilespmem:$0x8280] =	vst v63  }
0x4e: {  	_ =	swait.ge [sflag:s13], $0x2800  }
0x4f: {  	s30 =	sand.u32 $0x70, s23;
	s23 =	sand.u32 $0x1C00, s23;
	[sflag:s13] =	ssyncset.done $0x0  }
0x50: {  	s23 =	sor.u32 s30, s23;
	[sflag:s13] =	ssyncadd.s32 $0xFFFFD800  }
0x51: {  	v1 =	vld [tilespmem:s23+$0x3080]  }
0x52: {  	v2 =	vld [tilespmem:s23+$0x3000];
	_ =	sdelay $0x1  }
0x53: {  	v3 =	vld [tilespmem:s23+$0x3100];
	_ =	sdelay $0x1  }
0x54: {  	v4 =	vld [tilespmem:s23+$0x3180]  }
0x55: {  	v1 =	vadd.f32 v1, v2  }
0x56: {  	v2 =	vld [tilespmem:s23+$0x3200]  }
0x57: {  	v1 =	vadd.f32 v3, v1  }
0x58: {  	v3 =	vld [tilespmem:s23+$0x3280]  }
0x59: {  	v1 =	vadd.f32 v4, v1  }
0x5a: {  	v60 =	vld [tilespmem:s23+$0x3300]  }
0x5b: {  	v1 =	vadd.f32 v2, v1  }
0x5c: {  	v2 =	vld [tilespmem:s23+$0x3380]  }
0x5d: {  	v1 =	vadd.f32 v3, v1  }
0x5e: {  	v3 =	vld [tilespmem:s23+$0x4400]  }
0x5f: {  	v1 =	vadd.f32 v60, v1  }
0x60: {  	v61 =	vld [tilespmem:s23+$0x4480]  }
0x61: {  	v1 =	vadd.f32 v2, v1  }
0x62: {  	v2 =	vld [tilespmem:s23+$0x4500]  }
0x63: {  	v1 =	vadd.f32 v3, v1  }
0x64: {  	v3 =	vld [tilespmem:s23+$0x4580]  }
0x65: {  	v1 =	vadd.f32 v61, v1  }
0x66: {  	v62 =	vld [tilespmem:s23+$0x4600]  }
0x67: {  	v1 =	vadd.f32 v2, v1  }
0x68: {  	v2 =	vld [tilespmem:s23+$0x4680]  }
0x69: {  	v1 =	vadd.f32 v3, v1  }
0x6a: {  	v3 =	vld [tilespmem:s23+$0x4700]  }
0x6b: {  	v1 =	vadd.f32 v62, v1  }
0x6c: {  	v63 =	vld [tilespmem:s23+$0x4780]  }
0x6d: {  	v1 =	vadd.f32 v2, v1;
	_ =	sdelay $0x1  }
0x6e: {  	v1 =	vadd.f32 v3, v1;
	_ =	sdelay $0x1  }
0x6f: {  	s31 =	simm.s32 $0x10;
	s25 =	simm.s32 $0x80;
	v1 =	vadd.f32 v63, v1  }
0x70: {  	s24 =	sand.u32 $0x70, s31;
	s26 =	sand.u32 $0x1C00, s25;
	s23 =	simm.s32 $0x5800  }
0x71: {  	s24 =	sor.u32 s24, s26;
	s26 =	simm.s32 $0x20;
	[tilespmem:s23+$0x0] =	vst v1  }
.LBB2_12:
0x72: {  	p0 =	sne.s32 s26, $0x270;
	v1 =	vld [tilespmem:s24+$0x3080]  }
0x73: {  	v2 =	vld [tilespmem:s24+$0x3000];
	_ =	sdelay $0x1  }
0x74: {  	v3 =	vld [tilespmem:s24+$0x3100];
	_ =	sdelay $0x1  }
0x75: {  	v4 =	vld [tilespmem:s24+$0x3180]  }
0x76: {  	v1 =	vadd.f32 v1, v2  }
0x77: {  	v2 =	vld [tilespmem:s24+$0x3200]  }
0x78: {  	v1 =	vadd.f32 v3, v1  }
0x79: {  	v3 =	vld [tilespmem:s24+$0x3280]  }
0x7a: {  	v1 =	vadd.f32 v4, v1  }
0x7b: {  	v4 =	vld [tilespmem:s24+$0x3300]  }
0x7c: {  	v1 =	vadd.f32 v2, v1  }
0x7d: {  	v2 =	vld [tilespmem:s24+$0x3380]  }
0x7e: {  	v1 =	vadd.f32 v3, v1  }
0x7f: {  	v3 =	vld [tilespmem:s24+$0x4400]  }
0x80: {  	v1 =	vadd.f32 v4, v1  }
0x81: {  	v4 =	vld [tilespmem:s24+$0x4480]  }
0x82: {  	v1 =	vadd.f32 v2, v1  }
0x83: {  	v2 =	vld [tilespmem:s24+$0x4500]  }
0x84: {  	v1 =	vadd.f32 v3, v1  }
0x85: {  	v3 =	vld [tilespmem:s24+$0x4580]  }
0x86: {  	v1 =	vadd.f32 v4, v1  }
0x87: {  	v4 =	vld [tilespmem:s24+$0x4600]  }
0x88: {  	v1 =	vadd.f32 v2, v1  }
0x89: {  	v2 =	vld [tilespmem:s24+$0x4680]  }
0x8a: {  	v1 =	vadd.f32 v3, v1  }
0x8b: {  	v3 =	vld [tilespmem:s24+$0x4700]  }
0x8c: {  	v1 =	vadd.f32 v4, v1  }
0x8d: {  	v4 =	vld [tilespmem:s24+$0x4780]  }
0x8e: {  	v1 =	vadd.f32 v2, v1;
	_ =	sdelay $0x1  }
.Ltmp5:
0x8f: {  	v1 =	vadd.f32 v3, v1;
	(pc) =	sbr.rel @p0 .LBB2_12-.Ltmp5, $4  }
0x90: {  	_ = 	snop  }
0x91: {  	s25 =	sadd.s32 $0x80, s25;
	v1 =	vadd.f32 v4, v1  }
0x92: {  	s23 =	sadd.s32 $0x10, s23;
	s28 =	sand.u32 $0x1C00, s25;
	s24 =	sand.u32 $0x70, s26  }
0x93: {  	s26 =	sadd.s32 $0x10, s26;
	s24 =	sor.u32 s24, s28;
	[tilespmem:s23+$0x0] =	vst v1  }
0x94: {  	v1 =	vld [tilespmem:s24+$0x3080]  }
0x95: {  	v2 =	vld [tilespmem:s24+$0x3000];
	_ =	sdelay $0x1  }
0x96: {  	v3 =	vld [tilespmem:s24+$0x3100];
	_ =	sdelay $0x1  }
0x97: {  	v4 =	vld [tilespmem:s24+$0x3180]  }
0x98: {  	v1 =	vadd.f32 v1, v2  }
0x99: {  	v2 =	vld [tilespmem:s24+$0x3200]  }
0x9a: {  	v1 =	vadd.f32 v3, v1  }
0x9b: {  	v3 =	vld [tilespmem:s24+$0x3280]  }
0x9c: {  	v1 =	vadd.f32 v4, v1  }
0x9d: {  	v60 =	vld [tilespmem:s24+$0x3300]  }
0x9e: {  	v1 =	vadd.f32 v2, v1  }
0x9f: {  	v2 =	vld [tilespmem:s24+$0x3380]  }
0xa0: {  	v1 =	vadd.f32 v3, v1  }
0xa1: {  	v3 =	vld [tilespmem:s24+$0x4400]  }
0xa2: {  	v1 =	vadd.f32 v60, v1  }
0xa3: {  	v61 =	vld [tilespmem:s24+$0x4480]  }
0xa4: {  	v1 =	vadd.f32 v2, v1  }
0xa5: {  	v2 =	vld [tilespmem:s24+$0x4500]  }
0xa6: {  	v1 =	vadd.f32 v3, v1  }
0xa7: {  	v3 =	vld [tilespmem:s24+$0x4580]  }
0xa8: {  	v1 =	vadd.f32 v61, v1  }
0xa9: {  	v62 =	vld [tilespmem:s24+$0x4600]  }
0xaa: {  	v1 =	vadd.f32 v2, v1  }
0xab: {  	v2 =	vld [tilespmem:s24+$0x4680]  }
0xac: {  	v1 =	vadd.f32 v3, v1  }
0xad: {  	v3 =	vld [tilespmem:s24+$0x4700]  }
0xae: {  	v1 =	vadd.f32 v62, v1  }
0xaf: {  	v63 =	vld [tilespmem:s24+$0x4780]  }
0xb0: {  	v1 =	vadd.f32 v2, v1;
	_ =	sdelay $0x1  }
0xb1: {  	v1 =	vadd.f32 v3, v1;
	_ =	sdelay $0x1  }
0xb2: {  	s22 =	sadd.s32 $0x1, s22;
	v1 =	vadd.f32 v63, v1  }
0xb3: {  	s23 =	sadd.s32 $0x10, s23;
	p0 =	sne.s32 s22, s12  }
.Ltmp6:
0xb4: {  	[tilespmem:s23+$0x0] =	vst v1;
	(pc) =	sbr.rel @p0 .LBB2_1-.Ltmp6, $4  }
0xb5: {  	[hbm4b:s11+s15] =	stream.strided.scatter [tilespmem:s21], [sflag:$0x1], $0x280, s20, s15, $0x38;
	[tilespmem:$0x8280] =	vst v63  }
0xb6: {  	_ =	swait.ge [sflag:s13], $0x280  }
0xb7: {  	[sflag:s13] =	ssyncset.done $0x0  }
0xb8: {  	[sflag:s13] =	ssyncadd.s32 $0xFFFFFD80  }
0xb9: {  	_ =	sfence.sel $0x180000  }
0xba: {  	[bflag:$0x0] =	sbarrier.arrive $0xFFFF  }
0xbb: {  	p0 =	sne.s32 s0, $0x0;
	_ =	strace $0x90000047  }
0xbc: {  	s0 =	sadd.s32 @!p0 $0x100000, s1;
	[bflag:$0x2] =	sbarrier.arrive $0xFFFF  }
0xbd: {  	[sflag:s0] =	ssyncadd.tile.s32 @!p0 $0x1;
	_ =	shalt  }
.Lfunc_end2:
_tile_overlayer_lowered:
.L_overlay_start_2:
0xbe: {  	(tag) =	ssettag $0x2  }
0xbf: {  	s0 =	rddreg [dreg:$0x0];
	s2 =	stileid.u32  }
0xc0: {  	s1 =	rddreg [dreg:$0x1];
	p0 =	sne.s32 s2, $0x0  }
0xc1: {  	s3 =	rddreg [dreg:$0x2];
	[bflag:$0x3] =	sbarrier.arrive $0xFFFF;
	s2 =	simm.s32 @!p0 $0x1C01  }
0xc2: {  	[timem:s3], [sflag:s2] =	dma.local @!p0 [hbm:s0], s1  }
0xc3: {  	s0 =	simm.s32 @!p0 $0x1  }
0xc4: {  	_ =	swait.ge @!p0 [sflag:s0], s1  }
0xc5: {  	s1 =	ssub.s32 @!p0 $0x0, s1;
	[sflag:s0] =	ssyncset.done @!p0 $0x0  }
0xc6: {  	[sflag:s0] =	ssyncadd.s32 @!p0 s1  }
0xc7: {  	[bflag:$0x3] =	sbarrier.arrive $0xFFFF  }
0xc8: {  	_ =	shalt  }

</sc_bundles>
